<compile_context>
chip_gen: v7x
topology: tpu7x:2x2x1
jax: 0.10.2.dev20260603
libtpu: 0.0.44.dev20260713+nightly
codegen_flags: <defaults>
</compile_context>

<pallas_src>
import functools

import numpy as np
import jax
import jax.numpy as jnp
from jax import lax
from jax.experimental import pallas as pl
from jax.experimental.pallas import tpu as pltpu
from jax.experimental.pallas import tpu_sc as plsc

_BINS = (64, 256, 64, 256, 512, 256, 512, 512, 256)
_NT = len(_BINS)
_EMB = 8
_PADW = _EMB + 1
_B = 16384
_ROWS = int(np.sum(_BINS))

_NW = 32
_BPW = _B // _NW
_CHUNK = 128
_NC = _BPW // _CHUNK
_NCH = _NT * _NC

_MASK16 = np.zeros(16, np.int32)
_MASK16[:_NT] = np.array([b - 1 for b in _BINS], np.int32)
_OFF16 = np.zeros(16, np.int32)
_OFF16[:_NT] = np.concatenate([[0], np.cumsum(_BINS)[:-1]]).astype(np.int32)

_mesh = plsc.VectorSubcoreMesh(core_axis_name="c", subcore_axis_name="s")


@functools.partial(
    pl.kernel,
    mesh=_mesh,
    compiler_params=pltpu.CompilerParams(
        use_tc_tiling_on_sc=False, needs_layout_passes=False),
    out_type=jax.ShapeDtypeStruct((_NT, _B // _CHUNK, _EMB, _CHUNK),
                                  jnp.float32),
    scratch_types=[
        pltpu.VMEM((_ROWS * _PADW,), jnp.float32),
        pltpu.VMEM((_NT, _BPW), jnp.int32),
        pltpu.VMEM((16,), jnp.int32),
        pltpu.VMEM((16,), jnp.int32),
        pltpu.VMEM((_NCH * _EMB, 16), jnp.int32),
        pltpu.VMEM((4 * _EMB, _CHUNK), jnp.float32),
        pltpu.SemaphoreType.DMA,
        pltpu.SemaphoreType.DMA,
        pltpu.SemaphoreType.DMA,
    ],
)
def _emb_lookup(cate_hbm, table_hbm, mask_hbm, off_hbm, out_hbm,
                table_v, raw_v, mask_v, off_v, base_v, tile_v,
                gsem, osem, tsem):
    wid = lax.axis_index("s") * 2 + lax.axis_index("c")
    b0 = wid * _BPW

    table_cp = pltpu.async_copy(table_hbm, table_v, tsem)
    in_cps = [
        pltpu.async_copy(mask_hbm, mask_v, gsem),
        pltpu.async_copy(off_hbm, off_v, gsem),
    ]
    in_cps += [
        pltpu.async_copy(cate_hbm.at[i, pl.ds(b0, _BPW)], raw_v.at[i], gsem)
        for i in range(_NT)
    ]
    for cp in in_cps:
        cp.wait()

    def idx_body(j, carry):
        i = j // _NC
        c = j - i * _NC
        ivec = jnp.full((16,), 1, jnp.int32) * i
        maskv = plsc.load_gather(mask_v, [ivec])
        offv = plsc.load_gather(off_v, [ivec])
        for l in range(_CHUNK // 16):
            raw16 = raw_v[i, pl.ds(c * _CHUNK + l * 16, 16)]
            base_v[j * _EMB + l, :] = ((raw16 & maskv) + offv) * _PADW
        return carry

    lax.fori_loop(0, _NCH, idx_body, 0)
    table_cp.wait()

    def tile_body(j, carry):
        i = j // _NC
        c = j - i * _NC
        tc = _NC * wid + c
        slot = (j % 4) * _EMB
        @pl.when(j >= 4)
        def _():
            pltpu.make_async_copy(
                tile_v.at[pl.ds(slot, _EMB)], out_hbm.at[i, tc], osem
            ).wait()
        for g in range(2):
            ls = [4 * g + k for k in range(4)]
            bases = [base_v[j * _EMB + l, :] for l in ls]
            for e in range(_EMB):
                vals = [plsc.load_gather(table_v, [b + e]) for b in bases]
                for l, v in zip(ls, vals):
                    tile_v[slot + e, pl.ds(l * 16, 16)] = v
        pltpu.async_copy(
            tile_v.at[pl.ds(slot, _EMB)], out_hbm.at[i, tc], osem)
        return carry

    lax.fori_loop(0, _NCH, tile_body, 0)
    for _ in range(4):
        pltpu.make_async_copy(
            tile_v.at[pl.ds(0, _EMB)], out_hbm.at[0, 0], osem
        ).wait()


def kernel(num_feats, cate_feats, W0, W1, W2, W3, W4, W5, W6, W7, W8):
    del num_feats
    flat_table = jnp.pad(
        jnp.concatenate([W0, W1, W2, W3, W4, W5, W6, W7, W8], axis=0),
        ((0, 0), (0, _PADW - _EMB))).reshape(_ROWS * _PADW)
    x = _emb_lookup(cate_feats.T, flat_table,
                    jnp.asarray(_MASK16), jnp.asarray(_OFF16))
    return x.transpose(1, 3, 0, 2).reshape(_B, _NT * _EMB)

# --- scband reference (transcript-rebuilt; emitter-appended) ---
"""Pipeline reference for scband-feature-processor-50122268344668 (READ-ONLY COPY).

The authoritative reference and input builder live on the scoring server;
editing this copy changes nothing except your own understanding.
"""

import jax, jax.numpy as jnp
import numpy as np

BIN_SIZES = (64, 256, 64, 256, 512, 256, 512, 512, 256)
EMB_DIM = 8
BATCH = 16384


def setup_inputs(seed: int = 0) -> dict:
    key = jax.random.key(seed)
    ks = jax.random.split(key, 2 + len(BIN_SIZES))
    inp = {}
    inp["num_feats"] = jax.random.normal(ks[0], (BATCH, 13), dtype=jnp.float32)
    inp["cate_feats"] = jax.random.randint(ks[1], (BATCH, len(BIN_SIZES)), 0, 512, dtype=jnp.int32)
    for i, v in enumerate(BIN_SIZES):
        inp[f"W{i}"] = jax.random.normal(ks[2 + i], (v, EMB_DIM), dtype=jnp.float32)
    return inp


def reference(num_feats, cate_feats, W0, W1, W2, W3, W4, W5, W6, W7, W8):
    tables = [W0, W1, W2, W3, W4, W5, W6, W7, W8]
    feats = []
    for i, table in enumerate(tables):
        idx = cate_feats[:, i].astype(jnp.int32) % BIN_SIZES[i]
        feats.append(jnp.take(table, idx, axis=0))
    return jnp.concatenate(feats, axis=1)

if __name__ == "__main__":
    import jax
    _d = setup_inputs()
    print(jax.jit(kernel)(*tuple(_d.values())))

</pallas_src>

<mosaic_0001>
#map = affine_map<(d0, d1) -> (0, 0)>
#map1 = affine_map<(d0, d1) -> (0)>
#map2 = affine_map<(d0, d1) -> (0, 0, 0, 0)>
module attributes {stable_mosaic.version = 14 : i64} {
  func.func @_emb_lookup(%arg0: i32, %arg1: i32, %arg2: memref<9x16384xi32, #tpu.memory_space<hbm>>, %arg3: memref<24192xf32, #tpu.memory_space<hbm>>, %arg4: memref<16xi32, #tpu.memory_space<hbm>>, %arg5: memref<16xi32, #tpu.memory_space<hbm>>, %arg6: memref<9x128x8x128xf32, #tpu.memory_space<hbm>>, %arg7: memref<24192xf32, #tpu.memory_space<vmem>>, %arg8: memref<9x512xi32, #tpu.memory_space<vmem>>, %arg9: memref<16xi32, #tpu.memory_space<vmem>>, %arg10: memref<16xi32, #tpu.memory_space<vmem>>, %arg11: memref<288x16xi32, #tpu.memory_space<vmem>>, %arg12: memref<32x128xf32, #tpu.memory_space<vmem>>, %arg13: memref<!tpu.dma_semaphore, #tpu.memory_space<semaphore_mem>>, %arg14: memref<!tpu.dma_semaphore, #tpu.memory_space<semaphore_mem>>, %arg15: memref<!tpu.dma_semaphore, #tpu.memory_space<semaphore_mem>>) attributes {dimension_semantics = [#tpu.dimension_semantics<core_parallel>, #tpu.dimension_semantics<subcore_parallel>], iteration_bounds = array<i64: 2, 16>, scalar_prefetch = 0 : i64, scratch_operands = 9 : i64, tpu.core_type = #tpu.core_type<sc_vector_subcore>, window_params = [{transform_indices = #map}, {transform_indices = #map1}, {transform_indices = #map1}, {transform_indices = #map1}, {transform_indices = #map2}]} {
    %mul3A = arith.constant 2 : i32
    %mul3A_0 = arith.muli %arg1, %mul3A : i32
    %add3A = arith.addi %mul3A_0, %arg0 : i32
    %mul3A_1 = arith.constant 512 : i32
    %mul3A_2 = arith.muli %add3A, %mul3A_1 : i32
    tpu.enqueue_dma source(%arg3 : memref<24192xf32, #tpu.memory_space<hbm>>) target(%arg7 : memref<24192xf32, #tpu.memory_space<vmem>>) target_semaphore(%arg15 : memref<!tpu.dma_semaphore, #tpu.memory_space<semaphore_mem>>)
    tpu.enqueue_dma source(%arg4 : memref<16xi32, #tpu.memory_space<hbm>>) target(%arg9 : memref<16xi32, #tpu.memory_space<vmem>>) target_semaphore(%arg13 : memref<!tpu.dma_semaphore, #tpu.memory_space<semaphore_mem>>)
    tpu.enqueue_dma source(%arg5 : memref<16xi32, #tpu.memory_space<hbm>>) target(%arg10 : memref<16xi32, #tpu.memory_space<vmem>>) target_semaphore(%arg13 : memref<!tpu.dma_semaphore, #tpu.memory_space<semaphore_mem>>)
    %dma_start3A = arith.constant 0 : i32
    %dma_start3A_3 = arith.constant 0 : i32
    %dma_start3A_4 = arith.constant 0 : i32
    %dma_start3A_5 = tpu.memref_slice %arg8[%dma_start3A_3, %dma_start3A_4] : memref<9x512xi32, #tpu.memory_space<vmem>> -> memref<1x512xi32, #tpu.memory_space<vmem>>
    %dma_start3A_6 = tpu.memref_squeeze %dma_start3A_5 : memref<1x512xi32, #tpu.memory_space<vmem>> -> memref<512xi32, #tpu.memory_space<vmem>>
    %dma_start3A_7 = tpu.memref_slice %arg2[%dma_start3A, %mul3A_2] : memref<9x16384xi32, #tpu.memory_space<hbm>> -> memref<1x512xi32, #tpu.memory_space<hbm>>
    %dma_start3A_8 = tpu.memref_squeeze %dma_start3A_7 : memref<1x512xi32, #tpu.memory_space<hbm>> -> memref<512xi32, #tpu.memory_space<hbm>>
    %dma_start3A_9 = arith.constant 0 : i32
    %dma_start3A_10 = tpu.memref_slice %arg8[%dma_start3A_3, %dma_start3A_9] : memref<9x512xi32, #tpu.memory_space<vmem>> -> memref<1x512xi32, #tpu.memory_space<vmem>>
    %dma_start3A_11 = tpu.memref_squeeze %dma_start3A_10 : memref<1x512xi32, #tpu.memory_space<vmem>> -> memref<512xi32, #tpu.memory_space<vmem>>
    %dma_start3A_12 = tpu.memref_slice %arg2[%dma_start3A, %mul3A_2] : memref<9x16384xi32, #tpu.memory_space<hbm>> -> memref<1x512xi32, #tpu.memory_space<hbm>>
    %dma_start3A_13 = tpu.memref_squeeze %dma_start3A_12 : memref<1x512xi32, #tpu.memory_space<hbm>> -> memref<512xi32, #tpu.memory_space<hbm>>
    tpu.enqueue_dma source(%dma_start3A_13 : memref<512xi32, #tpu.memory_space<hbm>>) target(%dma_start3A_11 : memref<512xi32, #tpu.memory_space<vmem>>) target_semaphore(%arg13 : memref<!tpu.dma_semaphore, #tpu.memory_space<semaphore_mem>>)
    %dma_start3A_14 = arith.constant 1 : i32
    %dma_start3A_15 = arith.constant 1 : i32
    %dma_start3A_16 = arith.constant 0 : i32
    %dma_start3A_17 = tpu.memref_slice %arg8[%dma_start3A_15, %dma_start3A_16] : memref<9x512xi32, #tpu.memory_space<vmem>> -> memref<1x512xi32, #tpu.memory_space<vmem>>
    %dma_start3A_18 = tpu.memref_squeeze %dma_start3A_17 : memref<1x512xi32, #tpu.memory_space<vmem>> -> memref<512xi32, #tpu.memory_space<vmem>>
    %dma_start3A_19 = tpu.memref_slice %arg2[%dma_start3A_14, %mul3A_2] : memref<9x16384xi32, #tpu.memory_space<hbm>> -> memref<1x512xi32, #tpu.memory_space<hbm>>
    %dma_start3A_20 = tpu.memref_squeeze %dma_start3A_19 : memref<1x512xi32, #tpu.memory_space<hbm>> -> memref<512xi32, #tpu.memory_space<hbm>>
    %dma_start3A_21 = arith.constant 0 : i32
    %dma_start3A_22 = tpu.memref_slice %arg8[%dma_start3A_15, %dma_start3A_21] : memref<9x512xi32, #tpu.memory_space<vmem>> -> memref<1x512xi32, #tpu.memory_space<vmem>>
    %dma_start3A_23 = tpu.memref_squeeze %dma_start3A_22 : memref<1x512xi32, #tpu.memory_space<vmem>> -> memref<512xi32, #tpu.memory_space<vmem>>
    %dma_start3A_24 = tpu.memref_slice %arg2[%dma_start3A_14, %mul3A_2] : memref<9x16384xi32, #tpu.memory_space<hbm>> -> memref<1x512xi32, #tpu.memory_space<hbm>>
    %dma_start3A_25 = tpu.memref_squeeze %dma_start3A_24 : memref<1x512xi32, #tpu.memory_space<hbm>> -> memref<512xi32, #tpu.memory_space<hbm>>
    tpu.enqueue_dma source(%dma_start3A_25 : memref<512xi32, #tpu.memory_space<hbm>>) target(%dma_start3A_23 : memref<512xi32, #tpu.memory_space<vmem>>) target_semaphore(%arg13 : memref<!tpu.dma_semaphore, #tpu.memory_space<semaphore_mem>>)
    %dma_start3A_26 = arith.constant 2 : i32
    %dma_start3A_27 = arith.constant 2 : i32
    %dma_start3A_28 = arith.constant 0 : i32
    %dma_start3A_29 = tpu.memref_slice %arg8[%dma_start3A_27, %dma_start3A_28] : memref<9x512xi32, #tpu.memory_space<vmem>> -> memref<1x512xi32, #tpu.memory_space<vmem>>
    %dma_start3A_30 = tpu.memref_squeeze %dma_start3A_29 : memref<1x512xi32, #tpu.memory_space<vmem>> -> memref<512xi32, #tpu.memory_space<vmem>>
    %dma_start3A_31 = tpu.memref_slice %arg2[%dma_start3A_26, %mul3A_2] : memref<9x16384xi32, #tpu.memory_space<hbm>> -> memref<1x512xi32, #tpu.memory_space<hbm>>
    %dma_start3A_32 = tpu.memref_squeeze %dma_start3A_31 : memref<1x512xi32, #tpu.memory_space<hbm>> -> memref<512xi32, #tpu.memory_space<hbm>>
    %dma_start3A_33 = arith.constant 0 : i32
    %dma_start3A_34 = tpu.memref_slice %arg8[%dma_start3A_27, %dma_start3A_33] : memref<9x512xi32, #tpu.memory_space<vmem>> -> memref<1x512xi32, #tpu.memory_space<vmem>>
    %dma_start3A_35 = tpu.memref_squeeze %dma_start3A_34 : memref<1x512xi32, #tpu.memory_space<vmem>> -> memref<512xi32, #tpu.memory_space<vmem>>
    %dma_start3A_36 = tpu.memref_slice %arg2[%dma_start3A_26, %mul3A_2] : memref<9x16384xi32, #tpu.memory_space<hbm>> -> memref<1x512xi32, #tpu.memory_space<hbm>>
    %dma_start3A_37 = tpu.memref_squeeze %dma_start3A_36 : memref<1x512xi32, #tpu.memory_space<hbm>> -> memref<512xi32, #tpu.memory_space<hbm>>
    tpu.enqueue_dma source(%dma_start3A_37 : memref<512xi32, #tpu.memory_space<hbm>>) target(%dma_start3A_35 : memref<512xi32, #tpu.memory_space<vmem>>) target_semaphore(%arg13 : memref<!tpu.dma_semaphore, #tpu.memory_space<semaphore_mem>>)
    %dma_start3A_38 = arith.constant 3 : i32
    %dma_start3A_39 = arith.constant 3 : i32
    %dma_start3A_40 = arith.constant 0 : i32
    %dma_start3A_41 = tpu.memref_slice %arg8[%dma_start3A_39, %dma_start3A_40] : memref<9x512xi32, #tpu.memory_space<vmem>> -> memref<1x512xi32, #tpu.memory_space<vmem>>
    %dma_start3A_42 = tpu.memref_squeeze %dma_start3A_41 : memref<1x512xi32, #tpu.memory_space<vmem>> -> memref<512xi32, #tpu.memory_space<vmem>>
    %dma_start3A_43 = tpu.memref_slice %arg2[%dma_start3A_38, %mul3A_2] : memref<9x16384xi32, #tpu.memory_space<hbm>> -> memref<1x512xi32, #tpu.memory_space<hbm>>
    %dma_start3A_44 = tpu.memref_squeeze %dma_start3A_43 : memref<1x512xi32, #tpu.memory_space<hbm>> -> memref<512xi32, #tpu.memory_space<hbm>>
    %dma_start3A_45 = arith.constant 0 : i32
    %dma_start3A_46 = tpu.memref_slice %arg8[%dma_start3A_39, %dma_start3A_45] : memref<9x512xi32, #tpu.memory_space<vmem>> -> memref<1x512xi32, #tpu.memory_space<vmem>>
    %dma_start3A_47 = tpu.memref_squeeze %dma_start3A_46 : memref<1x512xi32, #tpu.memory_space<vmem>> -> memref<512xi32, #tpu.memory_space<vmem>>
    %dma_start3A_48 = tpu.memref_slice %arg2[%dma_start3A_38, %mul3A_2] : memref<9x16384xi32, #tpu.memory_space<hbm>> -> memref<1x512xi32, #tpu.memory_space<hbm>>
    %dma_start3A_49 = tpu.memref_squeeze %dma_start3A_48 : memref<1x512xi32, #tpu.memory_space<hbm>> -> memref<512xi32, #tpu.memory_space<hbm>>
    tpu.enqueue_dma source(%dma_start3A_49 : memref<512xi32, #tpu.memory_space<hbm>>) target(%dma_start3A_47 : memref<512xi32, #tpu.memory_space<vmem>>) target_semaphore(%arg13 : memref<!tpu.dma_semaphore, #tpu.memory_space<semaphore_mem>>)
    %dma_start3A_50 = arith.constant 4 : i32
    %dma_start3A_51 = arith.constant 4 : i32
    %dma_start3A_52 = arith.constant 0 : i32
    %dma_start3A_53 = tpu.memref_slice %arg8[%dma_start3A_51, %dma_start3A_52] : memref<9x512xi32, #tpu.memory_space<vmem>> -> memref<1x512xi32, #tpu.memory_space<vmem>>
    %dma_start3A_54 = tpu.memref_squeeze %dma_start3A_53 : memref<1x512xi32, #tpu.memory_space<vmem>> -> memref<512xi32, #tpu.memory_space<vmem>>
    %dma_start3A_55 = tpu.memref_slice %arg2[%dma_start3A_50, %mul3A_2] : memref<9x16384xi32, #tpu.memory_space<hbm>> -> memref<1x512xi32, #tpu.memory_space<hbm>>
    %dma_start3A_56 = tpu.memref_squeeze %dma_start3A_55 : memref<1x512xi32, #tpu.memory_space<hbm>> -> memref<512xi32, #tpu.memory_space<hbm>>
    %dma_start3A_57 = arith.constant 0 : i32
    %dma_start3A_58 = tpu.memref_slice %arg8[%dma_start3A_51, %dma_start3A_57] : memref<9x512xi32, #tpu.memory_space<vmem>> -> memref<1x512xi32, #tpu.memory_space<vmem>>
    %dma_start3A_59 = tpu.memref_squeeze %dma_start3A_58 : memref<1x512xi32, #tpu.memory_space<vmem>> -> memref<512xi32, #tpu.memory_space<vmem>>
    %dma_start3A_60 = tpu.memref_slice %arg2[%dma_start3A_50, %mul3A_2] : memref<9x16384xi32, #tpu.memory_space<hbm>> -> memref<1x512xi32, #tpu.memory_space<hbm>>
    %dma_start3A_61 = tpu.memref_squeeze %dma_start3A_60 : memref<1x512xi32, #tpu.memory_space<hbm>> -> memref<512xi32, #tpu.memory_space<hbm>>
    tpu.enqueue_dma source(%dma_start3A_61 : memref<512xi32, #tpu.memory_space<hbm>>) target(%dma_start3A_59 : memref<512xi32, #tpu.memory_space<vmem>>) target_semaphore(%arg13 : memref<!tpu.dma_semaphore, #tpu.memory_space<semaphore_mem>>)
    %dma_start3A_62 = arith.constant 5 : i32
    %dma_start3A_63 = arith.constant 5 : i32
    %dma_start3A_64 = arith.constant 0 : i32
    %dma_start3A_65 = tpu.memref_slice %arg8[%dma_start3A_63, %dma_start3A_64] : memref<9x512xi32, #tpu.memory_space<vmem>> -> memref<1x512xi32, #tpu.memory_space<vmem>>
    %dma_start3A_66 = tpu.memref_squeeze %dma_start3A_65 : memref<1x512xi32, #tpu.memory_space<vmem>> -> memref<512xi32, #tpu.memory_space<vmem>>
    %dma_start3A_67 = tpu.memref_slice %arg2[%dma_start3A_62, %mul3A_2] : memref<9x16384xi32, #tpu.memory_space<hbm>> -> memref<1x512xi32, #tpu.memory_space<hbm>>
    %dma_start3A_68 = tpu.memref_squeeze %dma_start3A_67 : memref<1x512xi32, #tpu.memory_space<hbm>> -> memref<512xi32, #tpu.memory_space<hbm>>
    %dma_start3A_69 = arith.constant 0 : i32
    %dma_start3A_70 = tpu.memref_slice %arg8[%dma_start3A_63, %dma_start3A_69] : memref<9x512xi32, #tpu.memory_space<vmem>> -> memref<1x512xi32, #tpu.memory_space<vmem>>
    %dma_start3A_71 = tpu.memref_squeeze %dma_start3A_70 : memref<1x512xi32, #tpu.memory_space<vmem>> -> memref<512xi32, #tpu.memory_space<vmem>>
    %dma_start3A_72 = tpu.memref_slice %arg2[%dma_start3A_62, %mul3A_2] : memref<9x16384xi32, #tpu.memory_space<hbm>> -> memref<1x512xi32, #tpu.memory_space<hbm>>
    %dma_start3A_73 = tpu.memref_squeeze %dma_start3A_72 : memref<1x512xi32, #tpu.memory_space<hbm>> -> memref<512xi32, #tpu.memory_space<hbm>>
    tpu.enqueue_dma source(%dma_start3A_73 : memref<512xi32, #tpu.memory_space<hbm>>) target(%dma_start3A_71 : memref<512xi32, #tpu.memory_space<vmem>>) target_semaphore(%arg13 : memref<!tpu.dma_semaphore, #tpu.memory_space<semaphore_mem>>)
    %dma_start3A_74 = arith.constant 6 : i32
    %dma_start3A_75 = arith.constant 6 : i32
    %dma_start3A_76 = arith.constant 0 : i32
    %dma_start3A_77 = tpu.memref_slice %arg8[%dma_start3A_75, %dma_start3A_76] : memref<9x512xi32, #tpu.memory_space<vmem>> -> memref<1x512xi32, #tpu.memory_space<vmem>>
    %dma_start3A_78 = tpu.memref_squeeze %dma_start3A_77 : memref<1x512xi32, #tpu.memory_space<vmem>> -> memref<512xi32, #tpu.memory_space<vmem>>
    %dma_start3A_79 = tpu.memref_slice %arg2[%dma_start3A_74, %mul3A_2] : memref<9x16384xi32, #tpu.memory_space<hbm>> -> memref<1x512xi32, #tpu.memory_space<hbm>>
    %dma_start3A_80 = tpu.memref_squeeze %dma_start3A_79 : memref<1x512xi32, #tpu.memory_space<hbm>> -> memref<512xi32, #tpu.memory_space<hbm>>
    %dma_start3A_81 = arith.constant 0 : i32
    %dma_start3A_82 = tpu.memref_slice %arg8[%dma_start3A_75, %dma_start3A_81] : memref<9x512xi32, #tpu.memory_space<vmem>> -> memref<1x512xi32, #tpu.memory_space<vmem>>
    %dma_start3A_83 = tpu.memref_squeeze %dma_start3A_82 : memref<1x512xi32, #tpu.memory_space<vmem>> -> memref<512xi32, #tpu.memory_space<vmem>>
    %dma_start3A_84 = tpu.memref_slice %arg2[%dma_start3A_74, %mul3A_2] : memref<9x16384xi32, #tpu.memory_space<hbm>> -> memref<1x512xi32, #tpu.memory_space<hbm>>
    %dma_start3A_85 = tpu.memref_squeeze %dma_start3A_84 : memref<1x512xi32, #tpu.memory_space<hbm>> -> memref<512xi32, #tpu.memory_space<hbm>>
    tpu.enqueue_dma source(%dma_start3A_85 : memref<512xi32, #tpu.memory_space<hbm>>) target(%dma_start3A_83 : memref<512xi32, #tpu.memory_space<vmem>>) target_semaphore(%arg13 : memref<!tpu.dma_semaphore, #tpu.memory_space<semaphore_mem>>)
    %dma_start3A_86 = arith.constant 7 : i32
    %dma_start3A_87 = arith.constant 7 : i32
    %dma_start3A_88 = arith.constant 0 : i32
    %dma_start3A_89 = tpu.memref_slice %arg8[%dma_start3A_87, %dma_start3A_88] : memref<9x512xi32, #tpu.memory_space<vmem>> -> memref<1x512xi32, #tpu.memory_space<vmem>>
    %dma_start3A_90 = tpu.memref_squeeze %dma_start3A_89 : memref<1x512xi32, #tpu.memory_space<vmem>> -> memref<512xi32, #tpu.memory_space<vmem>>
    %dma_start3A_91 = tpu.memref_slice %arg2[%dma_start3A_86, %mul3A_2] : memref<9x16384xi32, #tpu.memory_space<hbm>> -> memref<1x512xi32, #tpu.memory_space<hbm>>
    %dma_start3A_92 = tpu.memref_squeeze %dma_start3A_91 : memref<1x512xi32, #tpu.memory_space<hbm>> -> memref<512xi32, #tpu.memory_space<hbm>>
    %dma_start3A_93 = arith.constant 0 : i32
    %dma_start3A_94 = tpu.memref_slice %arg8[%dma_start3A_87, %dma_start3A_93] : memref<9x512xi32, #tpu.memory_space<vmem>> -> memref<1x512xi32, #tpu.memory_space<vmem>>
    %dma_start3A_95 = tpu.memref_squeeze %dma_start3A_94 : memref<1x512xi32, #tpu.memory_space<vmem>> -> memref<512xi32, #tpu.memory_space<vmem>>
    %dma_start3A_96 = tpu.memref_slice %arg2[%dma_start3A_86, %mul3A_2] : memref<9x16384xi32, #tpu.memory_space<hbm>> -> memref<1x512xi32, #tpu.memory_space<hbm>>
    %dma_start3A_97 = tpu.memref_squeeze %dma_start3A_96 : memref<1x512xi32, #tpu.memory_space<hbm>> -> memref<512xi32, #tpu.memory_space<hbm>>
    tpu.enqueue_dma source(%dma_start3A_97 : memref<512xi32, #tpu.memory_space<hbm>>) target(%dma_start3A_95 : memref<512xi32, #tpu.memory_space<vmem>>) target_semaphore(%arg13 : memref<!tpu.dma_semaphore, #tpu.memory_space<semaphore_mem>>)
    %dma_start3A_98 = arith.constant 8 : i32
    %dma_start3A_99 = arith.constant 8 : i32
    %dma_start3A_100 = arith.constant 0 : i32
    %dma_start3A_101 = tpu.memref_slice %arg8[%dma_start3A_99, %dma_start3A_100] : memref<9x512xi32, #tpu.memory_space<vmem>> -> memref<1x512xi32, #tpu.memory_space<vmem>>
    %dma_start3A_102 = tpu.memref_squeeze %dma_start3A_101 : memref<1x512xi32, #tpu.memory_space<vmem>> -> memref<512xi32, #tpu.memory_space<vmem>>
    %dma_start3A_103 = tpu.memref_slice %arg2[%dma_start3A_98, %mul3A_2] : memref<9x16384xi32, #tpu.memory_space<hbm>> -> memref<1x512xi32, #tpu.memory_space<hbm>>
    %dma_start3A_104 = tpu.memref_squeeze %dma_start3A_103 : memref<1x512xi32, #tpu.memory_space<hbm>> -> memref<512xi32, #tpu.memory_space<hbm>>
    %dma_start3A_105 = arith.constant 0 : i32
    %dma_start3A_106 = tpu.memref_slice %arg8[%dma_start3A_99, %dma_start3A_105] : memref<9x512xi32, #tpu.memory_space<vmem>> -> memref<1x512xi32, #tpu.memory_space<vmem>>
    %dma_start3A_107 = tpu.memref_squeeze %dma_start3A_106 : memref<1x512xi32, #tpu.memory_space<vmem>> -> memref<512xi32, #tpu.memory_space<vmem>>
    %dma_start3A_108 = tpu.memref_slice %arg2[%dma_start3A_98, %mul3A_2] : memref<9x16384xi32, #tpu.memory_space<hbm>> -> memref<1x512xi32, #tpu.memory_space<hbm>>
    %dma_start3A_109 = tpu.memref_squeeze %dma_start3A_108 : memref<1x512xi32, #tpu.memory_space<hbm>> -> memref<512xi32, #tpu.memory_space<hbm>>
    tpu.enqueue_dma source(%dma_start3A_109 : memref<512xi32, #tpu.memory_space<hbm>>) target(%dma_start3A_107 : memref<512xi32, #tpu.memory_space<vmem>>) target_semaphore(%arg13 : memref<!tpu.dma_semaphore, #tpu.memory_space<semaphore_mem>>)
    tpu.wait_dma2 semaphore(%arg13 : memref<!tpu.dma_semaphore, #tpu.memory_space<semaphore_mem>>) src(%arg4 : memref<16xi32, #tpu.memory_space<hbm>>) dst(%arg9 : memref<16xi32, #tpu.memory_space<vmem>>)
    tpu.wait_dma2 semaphore(%arg13 : memref<!tpu.dma_semaphore, #tpu.memory_space<semaphore_mem>>) src(%arg5 : memref<16xi32, #tpu.memory_space<hbm>>) dst(%arg10 : memref<16xi32, #tpu.memory_space<vmem>>)
    %dma_wait3A = arith.constant 0 : i32
    %dma_wait3A_110 = arith.constant 0 : i32
    %dma_wait3A_111 = arith.constant 0 : i32
    %dma_wait3A_112 = tpu.memref_slice %arg8[%dma_wait3A_110, %dma_wait3A_111] : memref<9x512xi32, #tpu.memory_space<vmem>> -> memref<1x512xi32, #tpu.memory_space<vmem>>
    %dma_wait3A_113 = tpu.memref_squeeze %dma_wait3A_112 : memref<1x512xi32, #tpu.memory_space<vmem>> -> memref<512xi32, #tpu.memory_space<vmem>>
    %dma_wait3A_114 = tpu.memref_slice %arg2[%dma_wait3A, %mul3A_2] : memref<9x16384xi32, #tpu.memory_space<hbm>> -> memref<1x512xi32, #tpu.memory_space<hbm>>
    %dma_wait3A_115 = tpu.memref_squeeze %dma_wait3A_114 : memref<1x512xi32, #tpu.memory_space<hbm>> -> memref<512xi32, #tpu.memory_space<hbm>>
    %dma_wait3A_116 = arith.constant 0 : i32
    %dma_wait3A_117 = tpu.memref_slice %arg8[%dma_wait3A_110, %dma_wait3A_116] : memref<9x512xi32, #tpu.memory_space<vmem>> -> memref<1x512xi32, #tpu.memory_space<vmem>>
    %dma_wait3A_118 = tpu.memref_squeeze %dma_wait3A_117 : memref<1x512xi32, #tpu.memory_space<vmem>> -> memref<512xi32, #tpu.memory_space<vmem>>
    %dma_wait3A_119 = tpu.memref_slice %arg2[%dma_wait3A, %mul3A_2] : memref<9x16384xi32, #tpu.memory_space<hbm>> -> memref<1x512xi32, #tpu.memory_space<hbm>>
    %dma_wait3A_120 = tpu.memref_squeeze %dma_wait3A_119 : memref<1x512xi32, #tpu.memory_space<hbm>> -> memref<512xi32, #tpu.memory_space<hbm>>
    tpu.wait_dma2 semaphore(%arg13 : memref<!tpu.dma_semaphore, #tpu.memory_space<semaphore_mem>>) src(%dma_wait3A_120 : memref<512xi32, #tpu.memory_space<hbm>>) dst(%dma_wait3A_118 : memref<512xi32, #tpu.memory_space<vmem>>)
    %dma_wait3A_121 = arith.constant 1 : i32
    %dma_wait3A_122 = arith.constant 1 : i32
    %dma_wait3A_123 = arith.constant 0 : i32
    %dma_wait3A_124 = tpu.memref_slice %arg8[%dma_wait3A_122, %dma_wait3A_123] : memref<9x512xi32, #tpu.memory_space<vmem>> -> memref<1x512xi32, #tpu.memory_space<vmem>>
    %dma_wait3A_125 = tpu.memref_squeeze %dma_wait3A_124 : memref<1x512xi32, #tpu.memory_space<vmem>> -> memref<512xi32, #tpu.memory_space<vmem>>
    %dma_wait3A_126 = tpu.memref_slice %arg2[%dma_wait3A_121, %mul3A_2] : memref<9x16384xi32, #tpu.memory_space<hbm>> -> memref<1x512xi32, #tpu.memory_space<hbm>>
    %dma_wait3A_127 = tpu.memref_squeeze %dma_wait3A_126 : memref<1x512xi32, #tpu.memory_space<hbm>> -> memref<512xi32, #tpu.memory_space<hbm>>
    %dma_wait3A_128 = arith.constant 0 : i32
    %dma_wait3A_129 = tpu.memref_slice %arg8[%dma_wait3A_122, %dma_wait3A_128] : memref<9x512xi32, #tpu.memory_space<vmem>> -> memref<1x512xi32, #tpu.memory_space<vmem>>
    %dma_wait3A_130 = tpu.memref_squeeze %dma_wait3A_129 : memref<1x512xi32, #tpu.memory_space<vmem>> -> memref<512xi32, #tpu.memory_space<vmem>>
    %dma_wait3A_131 = tpu.memref_slice %arg2[%dma_wait3A_121, %mul3A_2] : memref<9x16384xi32, #tpu.memory_space<hbm>> -> memref<1x512xi32, #tpu.memory_space<hbm>>
    %dma_wait3A_132 = tpu.memref_squeeze %dma_wait3A_131 : memref<1x512xi32, #tpu.memory_space<hbm>> -> memref<512xi32, #tpu.memory_space<hbm>>
    tpu.wait_dma2 semaphore(%arg13 : memref<!tpu.dma_semaphore, #tpu.memory_space<semaphore_mem>>) src(%dma_wait3A_132 : memref<512xi32, #tpu.memory_space<hbm>>) dst(%dma_wait3A_130 : memref<512xi32, #tpu.memory_space<vmem>>)
    %dma_wait3A_133 = arith.constant 2 : i32
    %dma_wait3A_134 = arith.constant 2 : i32
    %dma_wait3A_135 = arith.constant 0 : i32
    %dma_wait3A_136 = tpu.memref_slice %arg8[%dma_wait3A_134, %dma_wait3A_135] : memref<9x512xi32, #tpu.memory_space<vmem>> -> memref<1x512xi32, #tpu.memory_space<vmem>>
    %dma_wait3A_137 = tpu.memref_squeeze %dma_wait3A_136 : memref<1x512xi32, #tpu.memory_space<vmem>> -> memref<512xi32, #tpu.memory_space<vmem>>
    %dma_wait3A_138 = tpu.memref_slice %arg2[%dma_wait3A_133, %mul3A_2] : memref<9x16384xi32, #tpu.memory_space<hbm>> -> memref<1x512xi32, #tpu.memory_space<hbm>>
    %dma_wait3A_139 = tpu.memref_squeeze %dma_wait3A_138 : memref<1x512xi32, #tpu.memory_space<hbm>> -> memref<512xi32, #tpu.memory_space<hbm>>
    %dma_wait3A_140 = arith.constant 0 : i32
    %dma_wait3A_141 = tpu.memref_slice %arg8[%dma_wait3A_134, %dma_wait3A_140] : memref<9x512xi32, #tpu.memory_space<vmem>> -> memref<1x512xi32, #tpu.memory_space<vmem>>
    %dma_wait3A_142 = tpu.memref_squeeze %dma_wait3A_141 : memref<1x512xi32, #tpu.memory_space<vmem>> -> memref<512xi32, #tpu.memory_space<vmem>>
    %dma_wait3A_143 = tpu.memref_slice %arg2[%dma_wait3A_133, %mul3A_2] : memref<9x16384xi32, #tpu.memory_space<hbm>> -> memref<1x512xi32, #tpu.memory_space<hbm>>
    %dma_wait3A_144 = tpu.memref_squeeze %dma_wait3A_143 : memref<1x512xi32, #tpu.memory_space<hbm>> -> memref<512xi32, #tpu.memory_space<hbm>>
    tpu.wait_dma2 semaphore(%arg13 : memref<!tpu.dma_semaphore, #tpu.memory_space<semaphore_mem>>) src(%dma_wait3A_144 : memref<512xi32, #tpu.memory_space<hbm>>) dst(%dma_wait3A_142 : memref<512xi32, #tpu.memory_space<vmem>>)
    %dma_wait3A_145 = arith.constant 3 : i32
    %dma_wait3A_146 = arith.constant 3 : i32
    %dma_wait3A_147 = arith.constant 0 : i32
    %dma_wait3A_148 = tpu.memref_slice %arg8[%dma_wait3A_146, %dma_wait3A_147] : memref<9x512xi32, #tpu.memory_space<vmem>> -> memref<1x512xi32, #tpu.memory_space<vmem>>
    %dma_wait3A_149 = tpu.memref_squeeze %dma_wait3A_148 : memref<1x512xi32, #tpu.memory_space<vmem>> -> memref<512xi32, #tpu.memory_space<vmem>>
    %dma_wait3A_150 = tpu.memref_slice %arg2[%dma_wait3A_145, %mul3A_2] : memref<9x16384xi32, #tpu.memory_space<hbm>> -> memref<1x512xi32, #tpu.memory_space<hbm>>
    %dma_wait3A_151 = tpu.memref_squeeze %dma_wait3A_150 : memref<1x512xi32, #tpu.memory_space<hbm>> -> memref<512xi32, #tpu.memory_space<hbm>>
    %dma_wait3A_152 = arith.constant 0 : i32
    %dma_wait3A_153 = tpu.memref_slice %arg8[%dma_wait3A_146, %dma_wait3A_152] : memref<9x512xi32, #tpu.memory_space<vmem>> -> memref<1x512xi32, #tpu.memory_space<vmem>>
    %dma_wait3A_154 = tpu.memref_squeeze %dma_wait3A_153 : memref<1x512xi32, #tpu.memory_space<vmem>> -> memref<512xi32, #tpu.memory_space<vmem>>
    %dma_wait3A_155 = tpu.memref_slice %arg2[%dma_wait3A_145, %mul3A_2] : memref<9x16384xi32, #tpu.memory_space<hbm>> -> memref<1x512xi32, #tpu.memory_space<hbm>>
    %dma_wait3A_156 = tpu.memref_squeeze %dma_wait3A_155 : memref<1x512xi32, #tpu.memory_space<hbm>> -> memref<512xi32, #tpu.memory_space<hbm>>
    tpu.wait_dma2 semaphore(%arg13 : memref<!tpu.dma_semaphore, #tpu.memory_space<semaphore_mem>>) src(%dma_wait3A_156 : memref<512xi32, #tpu.memory_space<hbm>>) dst(%dma_wait3A_154 : memref<512xi32, #tpu.memory_space<vmem>>)
    %dma_wait3A_157 = arith.constant 4 : i32
    %dma_wait3A_158 = arith.constant 4 : i32
    %dma_wait3A_159 = arith.constant 0 : i32
    %dma_wait3A_160 = tpu.memref_slice %arg8[%dma_wait3A_158, %dma_wait3A_159] : memref<9x512xi32, #tpu.memory_space<vmem>> -> memref<1x512xi32, #tpu.memory_space<vmem>>
    %dma_wait3A_161 = tpu.memref_squeeze %dma_wait3A_160 : memref<1x512xi32, #tpu.memory_space<vmem>> -> memref<512xi32, #tpu.memory_space<vmem>>
    %dma_wait3A_162 = tpu.memref_slice %arg2[%dma_wait3A_157, %mul3A_2] : memref<9x16384xi32, #tpu.memory_space<hbm>> -> memref<1x512xi32, #tpu.memory_space<hbm>>
    %dma_wait3A_163 = tpu.memref_squeeze %dma_wait3A_162 : memref<1x512xi32, #tpu.memory_space<hbm>> -> memref<512xi32, #tpu.memory_space<hbm>>
    %dma_wait3A_164 = arith.constant 0 : i32
    %dma_wait3A_165 = tpu.memref_slice %arg8[%dma_wait3A_158, %dma_wait3A_164] : memref<9x512xi32, #tpu.memory_space<vmem>> -> memref<1x512xi32, #tpu.memory_space<vmem>>
    %dma_wait3A_166 = tpu.memref_squeeze %dma_wait3A_165 : memref<1x512xi32, #tpu.memory_space<vmem>> -> memref<512xi32, #tpu.memory_space<vmem>>
    %dma_wait3A_167 = tpu.memref_slice %arg2[%dma_wait3A_157, %mul3A_2] : memref<9x16384xi32, #tpu.memory_space<hbm>> -> memref<1x512xi32, #tpu.memory_space<hbm>>
    %dma_wait3A_168 = tpu.memref_squeeze %dma_wait3A_167 : memref<1x512xi32, #tpu.memory_space<hbm>> -> memref<512xi32, #tpu.memory_space<hbm>>
    tpu.wait_dma2 semaphore(%arg13 : memref<!tpu.dma_semaphore, #tpu.memory_space<semaphore_mem>>) src(%dma_wait3A_168 : memref<512xi32, #tpu.memory_space<hbm>>) dst(%dma_wait3A_166 : memref<512xi32, #tpu.memory_space<vmem>>)
    %dma_wait3A_169 = arith.constant 5 : i32
    %dma_wait3A_170 = arith.constant 5 : i32
    %dma_wait3A_171 = arith.constant 0 : i32
    %dma_wait3A_172 = tpu.memref_slice %arg8[%dma_wait3A_170, %dma_wait3A_171] : memref<9x512xi32, #tpu.memory_space<vmem>> -> memref<1x512xi32, #tpu.memory_space<vmem>>
    %dma_wait3A_173 = tpu.memref_squeeze %dma_wait3A_172 : memref<1x512xi32, #tpu.memory_space<vmem>> -> memref<512xi32, #tpu.memory_space<vmem>>
    %dma_wait3A_174 = tpu.memref_slice %arg2[%dma_wait3A_169, %mul3A_2] : memref<9x16384xi32, #tpu.memory_space<hbm>> -> memref<1x512xi32, #tpu.memory_space<hbm>>
    %dma_wait3A_175 = tpu.memref_squeeze %dma_wait3A_174 : memref<1x512xi32, #tpu.memory_space<hbm>> -> memref<512xi32, #tpu.memory_space<hbm>>
    %dma_wait3A_176 = arith.constant 0 : i32
    %dma_wait3A_177 = tpu.memref_slice %arg8[%dma_wait3A_170, %dma_wait3A_176] : memref<9x512xi32, #tpu.memory_space<vmem>> -> memref<1x512xi32, #tpu.memory_space<vmem>>
    %dma_wait3A_178 = tpu.memref_squeeze %dma_wait3A_177 : memref<1x512xi32, #tpu.memory_space<vmem>> -> memref<512xi32, #tpu.memory_space<vmem>>
    %dma_wait3A_179 = tpu.memref_slice %arg2[%dma_wait3A_169, %mul3A_2] : memref<9x16384xi32, #tpu.memory_space<hbm>> -> memref<1x512xi32, #tpu.memory_space<hbm>>
    %dma_wait3A_180 = tpu.memref_squeeze %dma_wait3A_179 : memref<1x512xi32, #tpu.memory_space<hbm>> -> memref<512xi32, #tpu.memory_space<hbm>>
    tpu.wait_dma2 semaphore(%arg13 : memref<!tpu.dma_semaphore, #tpu.memory_space<semaphore_mem>>) src(%dma_wait3A_180 : memref<512xi32, #tpu.memory_space<hbm>>) dst(%dma_wait3A_178 : memref<512xi32, #tpu.memory_space<vmem>>)
    %dma_wait3A_181 = arith.constant 6 : i32
    %dma_wait3A_182 = arith.constant 6 : i32
    %dma_wait3A_183 = arith.constant 0 : i32
    %dma_wait3A_184 = tpu.memref_slice %arg8[%dma_wait3A_182, %dma_wait3A_183] : memref<9x512xi32, #tpu.memory_space<vmem>> -> memref<1x512xi32, #tpu.memory_space<vmem>>
    %dma_wait3A_185 = tpu.memref_squeeze %dma_wait3A_184 : memref<1x512xi32, #tpu.memory_space<vmem>> -> memref<512xi32, #tpu.memory_space<vmem>>
    %dma_wait3A_186 = tpu.memref_slice %arg2[%dma_wait3A_181, %mul3A_2] : memref<9x16384xi32, #tpu.memory_space<hbm>> -> memref<1x512xi32, #tpu.memory_space<hbm>>
    %dma_wait3A_187 = tpu.memref_squeeze %dma_wait3A_186 : memref<1x512xi32, #tpu.memory_space<hbm>> -> memref<512xi32, #tpu.memory_space<hbm>>
    %dma_wait3A_188 = arith.constant 0 : i32
    %dma_wait3A_189 = tpu.memref_slice %arg8[%dma_wait3A_182, %dma_wait3A_188] : memref<9x512xi32, #tpu.memory_space<vmem>> -> memref<1x512xi32, #tpu.memory_space<vmem>>
    %dma_wait3A_190 = tpu.memref_squeeze %dma_wait3A_189 : memref<1x512xi32, #tpu.memory_space<vmem>> -> memref<512xi32, #tpu.memory_space<vmem>>
    %dma_wait3A_191 = tpu.memref_slice %arg2[%dma_wait3A_181, %mul3A_2] : memref<9x16384xi32, #tpu.memory_space<hbm>> -> memref<1x512xi32, #tpu.memory_space<hbm>>
    %dma_wait3A_192 = tpu.memref_squeeze %dma_wait3A_191 : memref<1x512xi32, #tpu.memory_space<hbm>> -> memref<512xi32, #tpu.memory_space<hbm>>
    tpu.wait_dma2 semaphore(%arg13 : memref<!tpu.dma_semaphore, #tpu.memory_space<semaphore_mem>>) src(%dma_wait3A_192 : memref<512xi32, #tpu.memory_space<hbm>>) dst(%dma_wait3A_190 : memref<512xi32, #tpu.memory_space<vmem>>)
    %dma_wait3A_193 = arith.constant 7 : i32
    %dma_wait3A_194 = arith.constant 7 : i32
    %dma_wait3A_195 = arith.constant 0 : i32
    %dma_wait3A_196 = tpu.memref_slice %arg8[%dma_wait3A_194, %dma_wait3A_195] : memref<9x512xi32, #tpu.memory_space<vmem>> -> memref<1x512xi32, #tpu.memory_space<vmem>>
    %dma_wait3A_197 = tpu.memref_squeeze %dma_wait3A_196 : memref<1x512xi32, #tpu.memory_space<vmem>> -> memref<512xi32, #tpu.memory_space<vmem>>
    %dma_wait3A_198 = tpu.memref_slice %arg2[%dma_wait3A_193, %mul3A_2] : memref<9x16384xi32, #tpu.memory_space<hbm>> -> memref<1x512xi32, #tpu.memory_space<hbm>>
    %dma_wait3A_199 = tpu.memref_squeeze %dma_wait3A_198 : memref<1x512xi32, #tpu.memory_space<hbm>> -> memref<512xi32, #tpu.memory_space<hbm>>
    %dma_wait3A_200 = arith.constant 0 : i32
    %dma_wait3A_201 = tpu.memref_slice %arg8[%dma_wait3A_194, %dma_wait3A_200] : memref<9x512xi32, #tpu.memory_space<vmem>> -> memref<1x512xi32, #tpu.memory_space<vmem>>
    %dma_wait3A_202 = tpu.memref_squeeze %dma_wait3A_201 : memref<1x512xi32, #tpu.memory_space<vmem>> -> memref<512xi32, #tpu.memory_space<vmem>>
    %dma_wait3A_203 = tpu.memref_slice %arg2[%dma_wait3A_193, %mul3A_2] : memref<9x16384xi32, #tpu.memory_space<hbm>> -> memref<1x512xi32, #tpu.memory_space<hbm>>
    %dma_wait3A_204 = tpu.memref_squeeze %dma_wait3A_203 : memref<1x512xi32, #tpu.memory_space<hbm>> -> memref<512xi32, #tpu.memory_space<hbm>>
    tpu.wait_dma2 semaphore(%arg13 : memref<!tpu.dma_semaphore, #tpu.memory_space<semaphore_mem>>) src(%dma_wait3A_204 : memref<512xi32, #tpu.memory_space<hbm>>) dst(%dma_wait3A_202 : memref<512xi32, #tpu.memory_space<vmem>>)
    %dma_wait3A_205 = arith.constant 8 : i32
    %dma_wait3A_206 = arith.constant 8 : i32
    %dma_wait3A_207 = arith.constant 0 : i32
    %dma_wait3A_208 = tpu.memref_slice %arg8[%dma_wait3A_206, %dma_wait3A_207] : memref<9x512xi32, #tpu.memory_space<vmem>> -> memref<1x512xi32, #tpu.memory_space<vmem>>
    %dma_wait3A_209 = tpu.memref_squeeze %dma_wait3A_208 : memref<1x512xi32, #tpu.memory_space<vmem>> -> memref<512xi32, #tpu.memory_space<vmem>>
    %dma_wait3A_210 = tpu.memref_slice %arg2[%dma_wait3A_205, %mul3A_2] : memref<9x16384xi32, #tpu.memory_space<hbm>> -> memref<1x512xi32, #tpu.memory_space<hbm>>
    %dma_wait3A_211 = tpu.memref_squeeze %dma_wait3A_210 : memref<1x512xi32, #tpu.memory_space<hbm>> -> memref<512xi32, #tpu.memory_space<hbm>>
    %dma_wait3A_212 = arith.constant 0 : i32
    %dma_wait3A_213 = tpu.memref_slice %arg8[%dma_wait3A_206, %dma_wait3A_212] : memref<9x512xi32, #tpu.memory_space<vmem>> -> memref<1x512xi32, #tpu.memory_space<vmem>>
    %dma_wait3A_214 = tpu.memref_squeeze %dma_wait3A_213 : memref<1x512xi32, #tpu.memory_space<vmem>> -> memref<512xi32, #tpu.memory_space<vmem>>
    %dma_wait3A_215 = tpu.memref_slice %arg2[%dma_wait3A_205, %mul3A_2] : memref<9x16384xi32, #tpu.memory_space<hbm>> -> memref<1x512xi32, #tpu.memory_space<hbm>>
    %dma_wait3A_216 = tpu.memref_squeeze %dma_wait3A_215 : memref<1x512xi32, #tpu.memory_space<hbm>> -> memref<512xi32, #tpu.memory_space<hbm>>
    tpu.wait_dma2 semaphore(%arg13 : memref<!tpu.dma_semaphore, #tpu.memory_space<semaphore_mem>>) src(%dma_wait3A_216 : memref<512xi32, #tpu.memory_space<hbm>>) dst(%dma_wait3A_214 : memref<512xi32, #tpu.memory_space<vmem>>)
    %scan3A = arith.constant 0 : i32
    %scan3A_217 = arith.constant 0 : i32
    %scan3A_218 = arith.constant 36 : i32
    %scan3A_219 = arith.addi %scan3A_217, %scan3A_218 : i32
    %scan3A_220 = arith.constant 1 : i32
    scf.for %scan3A_292 = %scan3A_217 to %scan3A_219 step %scan3A_220  : i32 {
      %jit3A = arith.constant 4 : i32
      %div3A = arith.divsi %scan3A_292, %jit3A : i32
      %sign3A = arith.constant 0 : i32
      %sign3A_293 = arith.cmpi sgt, %scan3A_292, %sign3A : i32
      %sign3A_294 = arith.extui %sign3A_293 : i1 to i32
      %sign3A_295 = arith.constant 0 : i32
      %sign3A_296 = arith.cmpi slt, %scan3A_292, %sign3A_295 : i32
      %sign3A_297 = arith.extui %sign3A_296 : i1 to i32
      %sign3A_298 = arith.subi %sign3A_294, %sign3A_297 : i32
      %sign3A_299 = arith.constant 0 : i32
      %sign3A_300 = arith.cmpi sgt, %jit3A, %sign3A_299 : i32
      %sign3A_301 = arith.extui %sign3A_300 : i1 to i32
      %sign3A_302 = arith.constant 0 : i32
      %sign3A_303 = arith.cmpi slt, %jit3A, %sign3A_302 : i32
      %sign3A_304 = arith.extui %sign3A_303 : i1 to i32
      %sign3A_305 = arith.subi %sign3A_301, %sign3A_304 : i32
      %ne3A = arith.cmpi ne, %sign3A_298, %sign3A_305 : i32
      %rem3A = arith.remsi %scan3A_292, %jit3A : i32
      %ne3A_306 = arith.constant 0 : i32
      %ne3A_307 = arith.cmpi ne, %rem3A, %ne3A_306 : i32
      %and3A = arith.andi %ne3A, %ne3A_307 : i1
      %sub3A = arith.constant 1 : i32
      %sub3A_308 = arith.subi %div3A, %sub3A : i32
      %select_n3A = arith.select %and3A, %sub3A_308, %div3A : i32
      %mul3A_309 = arith.constant 4 : i32
      %mul3A_310 = arith.muli %select_n3A, %mul3A_309 : i32
      %sub3A_311 = arith.subi %scan3A_292, %mul3A_310 : i32
      %broadcast_in_dim3A = arith.constant 1 : i32
      %broadcast_in_dim3A_312 = vector.broadcast %broadcast_in_dim3A : i32 to vector<16xi32>
      %mul3A_313 = vector.broadcast %select_n3A : i32 to vector<16xi32>
      %mul3A_314 = arith.muli %broadcast_in_dim3A_312, %mul3A_313 : vector<16xi32>
      %gather3A = tpu.vector_load_idx %arg9[%mul3A_314] : memref<16xi32, #tpu.memory_space<vmem>>[vector<16xi32>], vector<16xi32>,
      %gather3A_315 = tpu.vector_load_idx %arg10[%mul3A_314] : memref<16xi32, #tpu.memory_space<vmem>>[vector<16xi32>], vector<16xi32>,
      %mul3A_316 = arith.constant 128 : i32
      %mul3A_317 = arith.muli %sub3A_311, %mul3A_316 : i32
      %add3A_318 = arith.constant 0 : i32
      %add3A_319 = arith.addi %mul3A_317, %add3A_318 : i32
      %get3A = arith.index_cast %select_n3A : i32 to index
      %get3A_320 = arith.index_cast %add3A_319 : i32 to index
      %get3A_321 = tpu.vector_load %arg8[%get3A, %get3A_320] {strides = array<i32>} : memref<9x512xi32, #tpu.memory_space<vmem>>, vector<16xi32>,
      %and3A_322 = arith.andi %get3A_321, %gather3A : vector<16xi32>
      %add3A_323 = arith.addi %and3A_322, %gather3A_315 : vector<16xi32>
      %mul3A_324 = arith.constant 9 : i32
      %mul3A_325 = vector.broadcast %mul3A_324 : i32 to vector<16xi32>
      %mul3A_326 = arith.muli %add3A_323, %mul3A_325 : vector<16xi32>
      %mul3A_327 = arith.constant 8 : i32
      %mul3A_328 = arith.muli %scan3A_292, %mul3A_327 : i32
      %add3A_329 = arith.constant 0 : i32
      %add3A_330 = arith.addi %mul3A_328, %add3A_329 : i32
      %swap3A = arith.index_cast %add3A_330 : i32 to index
      %swap3A_331 = arith.constant 0 : index
      %swap3A_332 = tpu.vector_load %arg11[%swap3A, %swap3A_331] {strides = array<i32>} : memref<288x16xi32, #tpu.memory_space<vmem>>, vector<16xi32>,
      tpu.vector_store %arg11[%swap3A, %swap3A_331], %mul3A_326 {strides = array<i32>} : memref<288x16xi32, #tpu.memory_space<vmem>>, vector<16xi32>,
      %mul3A_333 = arith.constant 128 : i32
      %mul3A_334 = arith.muli %sub3A_311, %mul3A_333 : i32
      %add3A_335 = arith.constant 16 : i32
      %add3A_336 = arith.addi %mul3A_334, %add3A_335 : i32
      %get3A_337 = arith.index_cast %select_n3A : i32 to index
      %get3A_338 = arith.index_cast %add3A_336 : i32 to index
      %get3A_339 = tpu.vector_load %arg8[%get3A_337, %get3A_338] {strides = array<i32>} : memref<9x512xi32, #tpu.memory_space<vmem>>, vector<16xi32>,
      %and3A_340 = arith.andi %get3A_339, %gather3A : vector<16xi32>
      %add3A_341 = arith.addi %and3A_340, %gather3A_315 : vector<16xi32>
      %mul3A_342 = arith.constant 9 : i32
      %mul3A_343 = vector.broadcast %mul3A_342 : i32 to vector<16xi32>
      %mul3A_344 = arith.muli %add3A_341, %mul3A_343 : vector<16xi32>
      %mul3A_345 = arith.constant 8 : i32
      %mul3A_346 = arith.muli %scan3A_292, %mul3A_345 : i32
      %add3A_347 = arith.constant 1 : i32
      %add3A_348 = arith.addi %mul3A_346, %add3A_347 : i32
      %swap3A_349 = arith.index_cast %add3A_348 : i32 to index
      %swap3A_350 = arith.constant 0 : index
      %swap3A_351 = tpu.vector_load %arg11[%swap3A_349, %swap3A_350] {strides = array<i32>} : memref<288x16xi32, #tpu.memory_space<vmem>>, vector<16xi32>,
      tpu.vector_store %arg11[%swap3A_349, %swap3A_350], %mul3A_344 {strides = array<i32>} : memref<288x16xi32, #tpu.memory_space<vmem>>, vector<16xi32>,
      %mul3A_352 = arith.constant 128 : i32
      %mul3A_353 = arith.muli %sub3A_311, %mul3A_352 : i32
      %add3A_354 = arith.constant 32 : i32
      %add3A_355 = arith.addi %mul3A_353, %add3A_354 : i32
      %get3A_356 = arith.index_cast %select_n3A : i32 to index
      %get3A_357 = arith.index_cast %add3A_355 : i32 to index
      %get3A_358 = tpu.vector_load %arg8[%get3A_356, %get3A_357] {strides = array<i32>} : memref<9x512xi32, #tpu.memory_space<vmem>>, vector<16xi32>,
      %and3A_359 = arith.andi %get3A_358, %gather3A : vector<16xi32>
      %add3A_360 = arith.addi %and3A_359, %gather3A_315 : vector<16xi32>
      %mul3A_361 = arith.constant 9 : i32
      %mul3A_362 = vector.broadcast %mul3A_361 : i32 to vector<16xi32>
      %mul3A_363 = arith.muli %add3A_360, %mul3A_362 : vector<16xi32>
      %mul3A_364 = arith.constant 8 : i32
      %mul3A_365 = arith.muli %scan3A_292, %mul3A_364 : i32
      %add3A_366 = arith.constant 2 : i32
      %add3A_367 = arith.addi %mul3A_365, %add3A_366 : i32
      %swap3A_368 = arith.index_cast %add3A_367 : i32 to index
      %swap3A_369 = arith.constant 0 : index
      %swap3A_370 = tpu.vector_load %arg11[%swap3A_368, %swap3A_369] {strides = array<i32>} : memref<288x16xi32, #tpu.memory_space<vmem>>, vector<16xi32>,
      tpu.vector_store %arg11[%swap3A_368, %swap3A_369], %mul3A_363 {strides = array<i32>} : memref<288x16xi32, #tpu.memory_space<vmem>>, vector<16xi32>,
      %mul3A_371 = arith.constant 128 : i32
      %mul3A_372 = arith.muli %sub3A_311, %mul3A_371 : i32
      %add3A_373 = arith.constant 48 : i32
      %add3A_374 = arith.addi %mul3A_372, %add3A_373 : i32
      %get3A_375 = arith.index_cast %select_n3A : i32 to index
      %get3A_376 = arith.index_cast %add3A_374 : i32 to index
      %get3A_377 = tpu.vector_load %arg8[%get3A_375, %get3A_376] {strides = array<i32>} : memref<9x512xi32, #tpu.memory_space<vmem>>, vector<16xi32>,
      %and3A_378 = arith.andi %get3A_377, %gather3A : vector<16xi32>
      %add3A_379 = arith.addi %and3A_378, %gather3A_315 : vector<16xi32>
      %mul3A_380 = arith.constant 9 : i32
      %mul3A_381 = vector.broadcast %mul3A_380 : i32 to vector<16xi32>
      %mul3A_382 = arith.muli %add3A_379, %mul3A_381 : vector<16xi32>
      %mul3A_383 = arith.constant 8 : i32
      %mul3A_384 = arith.muli %scan3A_292, %mul3A_383 : i32
      %add3A_385 = arith.constant 3 : i32
      %add3A_386 = arith.addi %mul3A_384, %add3A_385 : i32
      %swap3A_387 = arith.index_cast %add3A_386 : i32 to index
      %swap3A_388 = arith.constant 0 : index
      %swap3A_389 = tpu.vector_load %arg11[%swap3A_387, %swap3A_388] {strides = array<i32>} : memref<288x16xi32, #tpu.memory_space<vmem>>, vector<16xi32>,
      tpu.vector_store %arg11[%swap3A_387, %swap3A_388], %mul3A_382 {strides = array<i32>} : memref<288x16xi32, #tpu.memory_space<vmem>>, vector<16xi32>,
      %mul3A_390 = arith.constant 128 : i32
      %mul3A_391 = arith.muli %sub3A_311, %mul3A_390 : i32
      %add3A_392 = arith.constant 64 : i32
      %add3A_393 = arith.addi %mul3A_391, %add3A_392 : i32
      %get3A_394 = arith.index_cast %select_n3A : i32 to index
      %get3A_395 = arith.index_cast %add3A_393 : i32 to index
      %get3A_396 = tpu.vector_load %arg8[%get3A_394, %get3A_395] {strides = array<i32>} : memref<9x512xi32, #tpu.memory_space<vmem>>, vector<16xi32>,
      %and3A_397 = arith.andi %get3A_396, %gather3A : vector<16xi32>
      %add3A_398 = arith.addi %and3A_397, %gather3A_315 : vector<16xi32>
      %mul3A_399 = arith.constant 9 : i32
      %mul3A_400 = vector.broadcast %mul3A_399 : i32 to vector<16xi32>
      %mul3A_401 = arith.muli %add3A_398, %mul3A_400 : vector<16xi32>
      %mul3A_402 = arith.constant 8 : i32
      %mul3A_403 = arith.muli %scan3A_292, %mul3A_402 : i32
      %add3A_404 = arith.constant 4 : i32
      %add3A_405 = arith.addi %mul3A_403, %add3A_404 : i32
      %swap3A_406 = arith.index_cast %add3A_405 : i32 to index
      %swap3A_407 = arith.constant 0 : index
      %swap3A_408 = tpu.vector_load %arg11[%swap3A_406, %swap3A_407] {strides = array<i32>} : memref<288x16xi32, #tpu.memory_space<vmem>>, vector<16xi32>,
      tpu.vector_store %arg11[%swap3A_406, %swap3A_407], %mul3A_401 {strides = array<i32>} : memref<288x16xi32, #tpu.memory_space<vmem>>, vector<16xi32>,
      %mul3A_409 = arith.constant 128 : i32
      %mul3A_410 = arith.muli %sub3A_311, %mul3A_409 : i32
      %add3A_411 = arith.constant 80 : i32
      %add3A_412 = arith.addi %mul3A_410, %add3A_411 : i32
      %get3A_413 = arith.index_cast %select_n3A : i32 to index
      %get3A_414 = arith.index_cast %add3A_412 : i32 to index
      %get3A_415 = tpu.vector_load %arg8[%get3A_413, %get3A_414] {strides = array<i32>} : memref<9x512xi32, #tpu.memory_space<vmem>>, vector<16xi32>,
      %and3A_416 = arith.andi %get3A_415, %gather3A : vector<16xi32>
      %add3A_417 = arith.addi %and3A_416, %gather3A_315 : vector<16xi32>
      %mul3A_418 = arith.constant 9 : i32
      %mul3A_419 = vector.broadcast %mul3A_418 : i32 to vector<16xi32>
      %mul3A_420 = arith.muli %add3A_417, %mul3A_419 : vector<16xi32>
      %mul3A_421 = arith.constant 8 : i32
      %mul3A_422 = arith.muli %scan3A_292, %mul3A_421 : i32
      %add3A_423 = arith.constant 5 : i32
      %add3A_424 = arith.addi %mul3A_422, %add3A_423 : i32
      %swap3A_425 = arith.index_cast %add3A_424 : i32 to index
      %swap3A_426 = arith.constant 0 : index
      %swap3A_427 = tpu.vector_load %arg11[%swap3A_425, %swap3A_426] {strides = array<i32>} : memref<288x16xi32, #tpu.memory_space<vmem>>, vector<16xi32>,
      tpu.vector_store %arg11[%swap3A_425, %swap3A_426], %mul3A_420 {strides = array<i32>} : memref<288x16xi32, #tpu.memory_space<vmem>>, vector<16xi32>,
      %mul3A_428 = arith.constant 128 : i32
      %mul3A_429 = arith.muli %sub3A_311, %mul3A_428 : i32
      %add3A_430 = arith.constant 96 : i32
      %add3A_431 = arith.addi %mul3A_429, %add3A_430 : i32
      %get3A_432 = arith.index_cast %select_n3A : i32 to index
      %get3A_433 = arith.index_cast %add3A_431 : i32 to index
      %get3A_434 = tpu.vector_load %arg8[%get3A_432, %get3A_433] {strides = array<i32>} : memref<9x512xi32, #tpu.memory_space<vmem>>, vector<16xi32>,
      %and3A_435 = arith.andi %get3A_434, %gather3A : vector<16xi32>
      %add3A_436 = arith.addi %and3A_435, %gather3A_315 : vector<16xi32>
      %mul3A_437 = arith.constant 9 : i32
      %mul3A_438 = vector.broadcast %mul3A_437 : i32 to vector<16xi32>
      %mul3A_439 = arith.muli %add3A_436, %mul3A_438 : vector<16xi32>
      %mul3A_440 = arith.constant 8 : i32
      %mul3A_441 = arith.muli %scan3A_292, %mul3A_440 : i32
      %add3A_442 = arith.constant 6 : i32
      %add3A_443 = arith.addi %mul3A_441, %add3A_442 : i32
      %swap3A_444 = arith.index_cast %add3A_443 : i32 to index
      %swap3A_445 = arith.constant 0 : index
      %swap3A_446 = tpu.vector_load %arg11[%swap3A_444, %swap3A_445] {strides = array<i32>} : memref<288x16xi32, #tpu.memory_space<vmem>>, vector<16xi32>,
      tpu.vector_store %arg11[%swap3A_444, %swap3A_445], %mul3A_439 {strides = array<i32>} : memref<288x16xi32, #tpu.memory_space<vmem>>, vector<16xi32>,
      %mul3A_447 = arith.constant 128 : i32
      %mul3A_448 = arith.muli %sub3A_311, %mul3A_447 : i32
      %add3A_449 = arith.constant 112 : i32
      %add3A_450 = arith.addi %mul3A_448, %add3A_449 : i32
      %get3A_451 = arith.index_cast %select_n3A : i32 to index
      %get3A_452 = arith.index_cast %add3A_450 : i32 to index
      %get3A_453 = tpu.vector_load %arg8[%get3A_451, %get3A_452] {strides = array<i32>} : memref<9x512xi32, #tpu.memory_space<vmem>>, vector<16xi32>,
      %and3A_454 = arith.andi %get3A_453, %gather3A : vector<16xi32>
      %add3A_455 = arith.addi %and3A_454, %gather3A_315 : vector<16xi32>
      %mul3A_456 = arith.constant 9 : i32
      %mul3A_457 = vector.broadcast %mul3A_456 : i32 to vector<16xi32>
      %mul3A_458 = arith.muli %add3A_455, %mul3A_457 : vector<16xi32>
      %mul3A_459 = arith.constant 8 : i32
      %mul3A_460 = arith.muli %scan3A_292, %mul3A_459 : i32
      %add3A_461 = arith.constant 7 : i32
      %add3A_462 = arith.addi %mul3A_460, %add3A_461 : i32
      %swap3A_463 = arith.index_cast %add3A_462 : i32 to index
      %swap3A_464 = arith.constant 0 : index
      %swap3A_465 = tpu.vector_load %arg11[%swap3A_463, %swap3A_464] {strides = array<i32>} : memref<288x16xi32, #tpu.memory_space<vmem>>, vector<16xi32>,
      tpu.vector_store %arg11[%swap3A_463, %swap3A_464], %mul3A_458 {strides = array<i32>} : memref<288x16xi32, #tpu.memory_space<vmem>>, vector<16xi32>,
    }
    %scan3A_221 = arith.constant 36 : i32
    tpu.wait_dma2 semaphore(%arg15 : memref<!tpu.dma_semaphore, #tpu.memory_space<semaphore_mem>>) src(%arg3 : memref<24192xf32, #tpu.memory_space<hbm>>) dst(%arg7 : memref<24192xf32, #tpu.memory_space<vmem>>)
    %scan3A_222 = arith.constant 0 : i32
    %scan3A_223 = arith.constant 0 : i32
    %scan3A_224 = arith.constant 36 : i32
    %scan3A_225 = arith.addi %scan3A_223, %scan3A_224 : i32
    %scan3A_226 = arith.constant 1 : i32
    scf.for %scan3A_292 = %scan3A_223 to %scan3A_225 step %scan3A_226  : i32 {
      %jit3A = arith.constant 4 : i32
      %div3A = arith.divsi %scan3A_292, %jit3A : i32
      %sign3A = arith.constant 0 : i32
      %sign3A_293 = arith.cmpi sgt, %scan3A_292, %sign3A : i32
      %sign3A_294 = arith.extui %sign3A_293 : i1 to i32
      %sign3A_295 = arith.constant 0 : i32
      %sign3A_296 = arith.cmpi slt, %scan3A_292, %sign3A_295 : i32
      %sign3A_297 = arith.extui %sign3A_296 : i1 to i32
      %sign3A_298 = arith.subi %sign3A_294, %sign3A_297 : i32
      %sign3A_299 = arith.constant 0 : i32
      %sign3A_300 = arith.cmpi sgt, %jit3A, %sign3A_299 : i32
      %sign3A_301 = arith.extui %sign3A_300 : i1 to i32
      %sign3A_302 = arith.constant 0 : i32
      %sign3A_303 = arith.cmpi slt, %jit3A, %sign3A_302 : i32
      %sign3A_304 = arith.extui %sign3A_303 : i1 to i32
      %sign3A_305 = arith.subi %sign3A_301, %sign3A_304 : i32
      %ne3A = arith.cmpi ne, %sign3A_298, %sign3A_305 : i32
      %rem3A = arith.remsi %scan3A_292, %jit3A : i32
      %ne3A_306 = arith.constant 0 : i32
      %ne3A_307 = arith.cmpi ne, %rem3A, %ne3A_306 : i32
      %and3A = arith.andi %ne3A, %ne3A_307 : i1
      %sub3A = arith.constant 1 : i32
      %sub3A_308 = arith.subi %div3A, %sub3A : i32
      %select_n3A = arith.select %and3A, %sub3A_308, %div3A : i32
      %mul3A_309 = arith.constant 4 : i32
      %mul3A_310 = arith.muli %select_n3A, %mul3A_309 : i32
      %sub3A_311 = arith.subi %scan3A_292, %mul3A_310 : i32
      %mul3A_312 = arith.constant 4 : i32
      %mul3A_313 = arith.muli %mul3A_312, %add3A : i32
      %add3A_314 = arith.addi %mul3A_313, %sub3A_311 : i32
      %jit3A_315 = arith.constant 4 : i32
      %eq3A = arith.constant 0 : i32
      %eq3A_316 = arith.cmpi eq, %jit3A_315, %eq3A : i32
      %jit3A_317 = arith.constant 1 : i32
      %select_n3A_318 = arith.select %eq3A_316, %jit3A_317, %jit3A_315 : i32
      %rem3A_319 = arith.remsi %scan3A_292, %select_n3A_318 : i32
      %ne3A_320 = arith.constant 0 : i32
      %ne3A_321 = arith.cmpi ne, %rem3A_319, %ne3A_320 : i32
      %lt3A = arith.constant 0 : i32
      %lt3A_322 = arith.cmpi slt, %rem3A_319, %lt3A : i32
      %lt3A_323 = arith.constant 0 : i32
      %lt3A_324 = arith.cmpi slt, %select_n3A_318, %lt3A_323 : i32
      %ne3A_325 = arith.xori %lt3A_322, %lt3A_324 : i1
      %and3A_326 = arith.andi %ne3A_325, %ne3A_321 : i1
      %add3A_327 = arith.addi %rem3A_319, %select_n3A_318 : i32
      %select_n3A_328 = arith.select %and3A_326, %add3A_327, %rem3A_319 : i32
      %mul3A_329 = arith.constant 8 : i32
      %mul3A_330 = arith.muli %select_n3A_328, %mul3A_329 : i32
      %ge3A = arith.constant 4 : i32
      %ge3A_331 = arith.cmpi sge, %scan3A_292, %ge3A : i32
      %convert_element_type3A = arith.extui %ge3A_331 : i1 to i32
      %cond3A = arith.constant 0 : i32
      %cond3A_332 = arith.cmpi ne, %convert_element_type3A, %cond3A : i32
      scf.if %cond3A_332 {
        %dma_wait3A_974 = arith.constant 0 : i32
        %dma_wait3A_975 = tpu.memref_slice %arg12[%mul3A_330, %dma_wait3A_974] : memref<32x128xf32, #tpu.memory_space<vmem>> -> memref<8x128xf32, #tpu.memory_space<vmem>>
        %dma_wait3A_976 = arith.constant 0 : i32
        %dma_wait3A_977 = arith.constant 0 : i32
        %dma_wait3A_978 = tpu.memref_slice %arg6[%select_n3A, %add3A_314, %dma_wait3A_976, %dma_wait3A_977] : memref<9x128x8x128xf32, #tpu.memory_space<hbm>> -> memref<1x1x8x128xf32, #tpu.memory_space<hbm>>
        %dma_wait3A_979 = tpu.memref_squeeze %dma_wait3A_978 : memref<1x1x8x128xf32, #tpu.memory_space<hbm>> -> memref<8x128xf32, #tpu.memory_space<hbm>>
        %dma_wait3A_980 = arith.constant 0 : i32
        %dma_wait3A_981 = arith.constant 0 : i32
        %dma_wait3A_982 = tpu.memref_slice %arg6[%select_n3A, %add3A_314, %dma_wait3A_980, %dma_wait3A_981] : memref<9x128x8x128xf32, #tpu.memory_space<hbm>> -> memref<1x1x8x128xf32, #tpu.memory_space<hbm>>
        %dma_wait3A_983 = tpu.memref_squeeze %dma_wait3A_982 : memref<1x1x8x128xf32, #tpu.memory_space<hbm>> -> memref<8x128xf32, #tpu.memory_space<hbm>>
        %dma_wait3A_984 = arith.constant 0 : i32
        %dma_wait3A_985 = tpu.memref_slice %arg12[%mul3A_330, %dma_wait3A_984] : memref<32x128xf32, #tpu.memory_space<vmem>> -> memref<8x128xf32, #tpu.memory_space<vmem>>
        tpu.wait_dma2 semaphore(%arg14 : memref<!tpu.dma_semaphore, #tpu.memory_space<semaphore_mem>>) src(%dma_wait3A_985 : memref<8x128xf32, #tpu.memory_space<vmem>>) dst(%dma_wait3A_983 : memref<8x128xf32, #tpu.memory_space<hbm>>)
      } else {
      }
      %mul3A_333 = arith.constant 8 : i32
      %mul3A_334 = arith.muli %scan3A_292, %mul3A_333 : i32
      %add3A_335 = arith.constant 0 : i32
      %add3A_336 = arith.addi %mul3A_334, %add3A_335 : i32
      %get3A = arith.index_cast %add3A_336 : i32 to index
      %get3A_337 = arith.constant 0 : index
      %get3A_338 = tpu.vector_load %arg11[%get3A, %get3A_337] {strides = array<i32>} : memref<288x16xi32, #tpu.memory_space<vmem>>, vector<16xi32>,
      %mul3A_339 = arith.constant 8 : i32
      %mul3A_340 = arith.muli %scan3A_292, %mul3A_339 : i32
      %add3A_341 = arith.constant 1 : i32
      %add3A_342 = arith.addi %mul3A_340, %add3A_341 : i32
      %get3A_343 = arith.index_cast %add3A_342 : i32 to index
      %get3A_344 = arith.constant 0 : index
      %get3A_345 = tpu.vector_load %arg11[%get3A_343, %get3A_344] {strides = array<i32>} : memref<288x16xi32, #tpu.memory_space<vmem>>, vector<16xi32>,
      %mul3A_346 = arith.constant 8 : i32
      %mul3A_347 = arith.muli %scan3A_292, %mul3A_346 : i32
      %add3A_348 = arith.constant 2 : i32
      %add3A_349 = arith.addi %mul3A_347, %add3A_348 : i32
      %get3A_350 = arith.index_cast %add3A_349 : i32 to index
      %get3A_351 = arith.constant 0 : index
      %get3A_352 = tpu.vector_load %arg11[%get3A_350, %get3A_351] {strides = array<i32>} : memref<288x16xi32, #tpu.memory_space<vmem>>, vector<16xi32>,
      %mul3A_353 = arith.constant 8 : i32
      %mul3A_354 = arith.muli %scan3A_292, %mul3A_353 : i32
      %add3A_355 = arith.constant 3 : i32
      %add3A_356 = arith.addi %mul3A_354, %add3A_355 : i32
      %get3A_357 = arith.index_cast %add3A_356 : i32 to index
      %get3A_358 = arith.constant 0 : index
      %get3A_359 = tpu.vector_load %arg11[%get3A_357, %get3A_358] {strides = array<i32>} : memref<288x16xi32, #tpu.memory_space<vmem>>, vector<16xi32>,
      %add3A_360 = arith.constant 0 : i32
      %add3A_361 = vector.broadcast %add3A_360 : i32 to vector<16xi32>
      %add3A_362 = arith.addi %get3A_338, %add3A_361 : vector<16xi32>
      %gather3A = tpu.vector_load_idx %arg7[%add3A_362] : memref<24192xf32, #tpu.memory_space<vmem>>[vector<16xi32>], vector<16xf32>,
      %add3A_363 = arith.constant 0 : i32
      %add3A_364 = vector.broadcast %add3A_363 : i32 to vector<16xi32>
      %add3A_365 = arith.addi %get3A_345, %add3A_364 : vector<16xi32>
      %gather3A_366 = tpu.vector_load_idx %arg7[%add3A_365] : memref<24192xf32, #tpu.memory_space<vmem>>[vector<16xi32>], vector<16xf32>,
      %add3A_367 = arith.constant 0 : i32
      %add3A_368 = vector.broadcast %add3A_367 : i32 to vector<16xi32>
      %add3A_369 = arith.addi %get3A_352, %add3A_368 : vector<16xi32>
      %gather3A_370 = tpu.vector_load_idx %arg7[%add3A_369] : memref<24192xf32, #tpu.memory_space<vmem>>[vector<16xi32>], vector<16xf32>,
      %add3A_371 = arith.constant 0 : i32
      %add3A_372 = vector.broadcast %add3A_371 : i32 to vector<16xi32>
      %add3A_373 = arith.addi %get3A_359, %add3A_372 : vector<16xi32>
      %gather3A_374 = tpu.vector_load_idx %arg7[%add3A_373] : memref<24192xf32, #tpu.memory_space<vmem>>[vector<16xi32>], vector<16xf32>,
      %add3A_375 = arith.constant 0 : i32
      %add3A_376 = arith.addi %mul3A_330, %add3A_375 : i32
      %swap3A = arith.index_cast %add3A_376 : i32 to index
      %swap3A_377 = arith.constant 0 : index
      %swap3A_378 = tpu.vector_load %arg12[%swap3A, %swap3A_377] {strides = array<i32>} : memref<32x128xf32, #tpu.memory_space<vmem>>, vector<16xf32>,
      tpu.vector_store %arg12[%swap3A, %swap3A_377], %gather3A {strides = array<i32>} : memref<32x128xf32, #tpu.memory_space<vmem>>, vector<16xf32>,
      %add3A_379 = arith.constant 0 : i32
      %add3A_380 = arith.addi %mul3A_330, %add3A_379 : i32
      %swap3A_381 = arith.index_cast %add3A_380 : i32 to index
      %swap3A_382 = arith.constant 16 : index
      %swap3A_383 = tpu.vector_load %arg12[%swap3A_381, %swap3A_382] {strides = array<i32>} : memref<32x128xf32, #tpu.memory_space<vmem>>, vector<16xf32>,
      tpu.vector_store %arg12[%swap3A_381, %swap3A_382], %gather3A_366 {strides = array<i32>} : memref<32x128xf32, #tpu.memory_space<vmem>>, vector<16xf32>,
      %add3A_384 = arith.constant 0 : i32
      %add3A_385 = arith.addi %mul3A_330, %add3A_384 : i32
      %swap3A_386 = arith.index_cast %add3A_385 : i32 to index
      %swap3A_387 = arith.constant 32 : index
      %swap3A_388 = tpu.vector_load %arg12[%swap3A_386, %swap3A_387] {strides = array<i32>} : memref<32x128xf32, #tpu.memory_space<vmem>>, vector<16xf32>,
      tpu.vector_store %arg12[%swap3A_386, %swap3A_387], %gather3A_370 {strides = array<i32>} : memref<32x128xf32, #tpu.memory_space<vmem>>, vector<16xf32>,
      %add3A_389 = arith.constant 0 : i32
      %add3A_390 = arith.addi %mul3A_330, %add3A_389 : i32
      %swap3A_391 = arith.index_cast %add3A_390 : i32 to index
      %swap3A_392 = arith.constant 48 : index
      %swap3A_393 = tpu.vector_load %arg12[%swap3A_391, %swap3A_392] {strides = array<i32>} : memref<32x128xf32, #tpu.memory_space<vmem>>, vector<16xf32>,
      tpu.vector_store %arg12[%swap3A_391, %swap3A_392], %gather3A_374 {strides = array<i32>} : memref<32x128xf32, #tpu.memory_space<vmem>>, vector<16xf32>,
      %add3A_394 = arith.constant 1 : i32
      %add3A_395 = vector.broadcast %add3A_394 : i32 to vector<16xi32>
      %add3A_396 = arith.addi %get3A_338, %add3A_395 : vector<16xi32>
      %gather3A_397 = tpu.vector_load_idx %arg7[%add3A_396] : memref<24192xf32, #tpu.memory_space<vmem>>[vector<16xi32>], vector<16xf32>,
      %add3A_398 = arith.constant 1 : i32
      %add3A_399 = vector.broadcast %add3A_398 : i32 to vector<16xi32>
      %add3A_400 = arith.addi %get3A_345, %add3A_399 : vector<16xi32>
      %gather3A_401 = tpu.vector_load_idx %arg7[%add3A_400] : memref<24192xf32, #tpu.memory_space<vmem>>[vector<16xi32>], vector<16xf32>,
      %add3A_402 = arith.constant 1 : i32
      %add3A_403 = vector.broadcast %add3A_402 : i32 to vector<16xi32>
      %add3A_404 = arith.addi %get3A_352, %add3A_403 : vector<16xi32>
      %gather3A_405 = tpu.vector_load_idx %arg7[%add3A_404] : memref<24192xf32, #tpu.memory_space<vmem>>[vector<16xi32>], vector<16xf32>,
      %add3A_406 = arith.constant 1 : i32
      %add3A_407 = vector.broadcast %add3A_406 : i32 to vector<16xi32>
      %add3A_408 = arith.addi %get3A_359, %add3A_407 : vector<16xi32>
      %gather3A_409 = tpu.vector_load_idx %arg7[%add3A_408] : memref<24192xf32, #tpu.memory_space<vmem>>[vector<16xi32>], vector<16xf32>,
      %add3A_410 = arith.constant 1 : i32
      %add3A_411 = arith.addi %mul3A_330, %add3A_410 : i32
      %swap3A_412 = arith.index_cast %add3A_411 : i32 to index
      %swap3A_413 = arith.constant 0 : index
      %swap3A_414 = tpu.vector_load %arg12[%swap3A_412, %swap3A_413] {strides = array<i32>} : memref<32x128xf32, #tpu.memory_space<vmem>>, vector<16xf32>,
      tpu.vector_store %arg12[%swap3A_412, %swap3A_413], %gather3A_397 {strides = array<i32>} : memref<32x128xf32, #tpu.memory_space<vmem>>, vector<16xf32>,
      %add3A_415 = arith.constant 1 : i32
      %add3A_416 = arith.addi %mul3A_330, %add3A_415 : i32
      %swap3A_417 = arith.index_cast %add3A_416 : i32 to index
      %swap3A_418 = arith.constant 16 : index
      %swap3A_419 = tpu.vector_load %arg12[%swap3A_417, %swap3A_418] {strides = array<i32>} : memref<32x128xf32, #tpu.memory_space<vmem>>, vector<16xf32>,
      tpu.vector_store %arg12[%swap3A_417, %swap3A_418], %gather3A_401 {strides = array<i32>} : memref<32x128xf32, #tpu.memory_space<vmem>>, vector<16xf32>,
      %add3A_420 = arith.constant 1 : i32
      %add3A_421 = arith.addi %mul3A_330, %add3A_420 : i32
      %swap3A_422 = arith.index_cast %add3A_421 : i32 to index
      %swap3A_423 = arith.constant 32 : index
      %swap3A_424 = tpu.vector_load %arg12[%swap3A_422, %swap3A_423] {strides = array<i32>} : memref<32x128xf32, #tpu.memory_space<vmem>>, vector<16xf32>,
      tpu.vector_store %arg12[%swap3A_422, %swap3A_423], %gather3A_405 {strides = array<i32>} : memref<32x128xf32, #tpu.memory_space<vmem>>, vector<16xf32>,
      %add3A_425 = arith.constant 1 : i32
      %add3A_426 = arith.addi %mul3A_330, %add3A_425 : i32
      %swap3A_427 = arith.index_cast %add3A_426 : i32 to index
      %swap3A_428 = arith.constant 48 : index
      %swap3A_429 = tpu.vector_load %arg12[%swap3A_427, %swap3A_428] {strides = array<i32>} : memref<32x128xf32, #tpu.memory_space<vmem>>, vector<16xf32>,
      tpu.vector_store %arg12[%swap3A_427, %swap3A_428], %gather3A_409 {strides = array<i32>} : memref<32x128xf32, #tpu.memory_space<vmem>>, vector<16xf32>,
      %add3A_430 = arith.constant 2 : i32
      %add3A_431 = vector.broadcast %add3A_430 : i32 to vector<16xi32>
      %add3A_432 = arith.addi %get3A_338, %add3A_431 : vector<16xi32>
      %gather3A_433 = tpu.vector_load_idx %arg7[%add3A_432] : memref<24192xf32, #tpu.memory_space<vmem>>[vector<16xi32>], vector<16xf32>,
      %add3A_434 = arith.constant 2 : i32
      %add3A_435 = vector.broadcast %add3A_434 : i32 to vector<16xi32>
      %add3A_436 = arith.addi %get3A_345, %add3A_435 : vector<16xi32>
      %gather3A_437 = tpu.vector_load_idx %arg7[%add3A_436] : memref<24192xf32, #tpu.memory_space<vmem>>[vector<16xi32>], vector<16xf32>,
      %add3A_438 = arith.constant 2 : i32
      %add3A_439 = vector.broadcast %add3A_438 : i32 to vector<16xi32>
      %add3A_440 = arith.addi %get3A_352, %add3A_439 : vector<16xi32>
      %gather3A_441 = tpu.vector_load_idx %arg7[%add3A_440] : memref<24192xf32, #tpu.memory_space<vmem>>[vector<16xi32>], vector<16xf32>,
      %add3A_442 = arith.constant 2 : i32
      %add3A_443 = vector.broadcast %add3A_442 : i32 to vector<16xi32>
      %add3A_444 = arith.addi %get3A_359, %add3A_443 : vector<16xi32>
      %gather3A_445 = tpu.vector_load_idx %arg7[%add3A_444] : memref<24192xf32, #tpu.memory_space<vmem>>[vector<16xi32>], vector<16xf32>,
      %add3A_446 = arith.constant 2 : i32
      %add3A_447 = arith.addi %mul3A_330, %add3A_446 : i32
      %swap3A_448 = arith.index_cast %add3A_447 : i32 to index
      %swap3A_449 = arith.constant 0 : index
      %swap3A_450 = tpu.vector_load %arg12[%swap3A_448, %swap3A_449] {strides = array<i32>} : memref<32x128xf32, #tpu.memory_space<vmem>>, vector<16xf32>,
      tpu.vector_store %arg12[%swap3A_448, %swap3A_449], %gather3A_433 {strides = array<i32>} : memref<32x128xf32, #tpu.memory_space<vmem>>, vector<16xf32>,
      %add3A_451 = arith.constant 2 : i32
      %add3A_452 = arith.addi %mul3A_330, %add3A_451 : i32
      %swap3A_453 = arith.index_cast %add3A_452 : i32 to index
      %swap3A_454 = arith.constant 16 : index
      %swap3A_455 = tpu.vector_load %arg12[%swap3A_453, %swap3A_454] {strides = array<i32>} : memref<32x128xf32, #tpu.memory_space<vmem>>, vector<16xf32>,
      tpu.vector_store %arg12[%swap3A_453, %swap3A_454], %gather3A_437 {strides = array<i32>} : memref<32x128xf32, #tpu.memory_space<vmem>>, vector<16xf32>,
      %add3A_456 = arith.constant 2 : i32
      %add3A_457 = arith.addi %mul3A_330, %add3A_456 : i32
      %swap3A_458 = arith.index_cast %add3A_457 : i32 to index
      %swap3A_459 = arith.constant 32 : index
      %swap3A_460 = tpu.vector_load %arg12[%swap3A_458, %swap3A_459] {strides = array<i32>} : memref<32x128xf32, #tpu.memory_space<vmem>>, vector<16xf32>,
      tpu.vector_store %arg12[%swap3A_458, %swap3A_459], %gather3A_441 {strides = array<i32>} : memref<32x128xf32, #tpu.memory_space<vmem>>, vector<16xf32>,
      %add3A_461 = arith.constant 2 : i32
      %add3A_462 = arith.addi %mul3A_330, %add3A_461 : i32
      %swap3A_463 = arith.index_cast %add3A_462 : i32 to index
      %swap3A_464 = arith.constant 48 : index
      %swap3A_465 = tpu.vector_load %arg12[%swap3A_463, %swap3A_464] {strides = array<i32>} : memref<32x128xf32, #tpu.memory_space<vmem>>, vector<16xf32>,
      tpu.vector_store %arg12[%swap3A_463, %swap3A_464], %gather3A_445 {strides = array<i32>} : memref<32x128xf32, #tpu.memory_space<vmem>>, vector<16xf32>,
      %add3A_466 = arith.constant 3 : i32
      %add3A_467 = vector.broadcast %add3A_466 : i32 to vector<16xi32>
      %add3A_468 = arith.addi %get3A_338, %add3A_467 : vector<16xi32>
      %gather3A_469 = tpu.vector_load_idx %arg7[%add3A_468] : memref<24192xf32, #tpu.memory_space<vmem>>[vector<16xi32>], vector<16xf32>,
      %add3A_470 = arith.constant 3 : i32
      %add3A_471 = vector.broadcast %add3A_470 : i32 to vector<16xi32>
      %add3A_472 = arith.addi %get3A_345, %add3A_471 : vector<16xi32>
      %gather3A_473 = tpu.vector_load_idx %arg7[%add3A_472] : memref<24192xf32, #tpu.memory_space<vmem>>[vector<16xi32>], vector<16xf32>,
      %add3A_474 = arith.constant 3 : i32
      %add3A_475 = vector.broadcast %add3A_474 : i32 to vector<16xi32>
      %add3A_476 = arith.addi %get3A_352, %add3A_475 : vector<16xi32>
      %gather3A_477 = tpu.vector_load_idx %arg7[%add3A_476] : memref<24192xf32, #tpu.memory_space<vmem>>[vector<16xi32>], vector<16xf32>,
      %add3A_478 = arith.constant 3 : i32
      %add3A_479 = vector.broadcast %add3A_478 : i32 to vector<16xi32>
      %add3A_480 = arith.addi %get3A_359, %add3A_479 : vector<16xi32>
      %gather3A_481 = tpu.vector_load_idx %arg7[%add3A_480] : memref<24192xf32, #tpu.memory_space<vmem>>[vector<16xi32>], vector<16xf32>,
      %add3A_482 = arith.constant 3 : i32
      %add3A_483 = arith.addi %mul3A_330, %add3A_482 : i32
      %swap3A_484 = arith.index_cast %add3A_483 : i32 to index
      %swap3A_485 = arith.constant 0 : index
      %swap3A_486 = tpu.vector_load %arg12[%swap3A_484, %swap3A_485] {strides = array<i32>} : memref<32x128xf32, #tpu.memory_space<vmem>>, vector<16xf32>,
      tpu.vector_store %arg12[%swap3A_484, %swap3A_485], %gather3A_469 {strides = array<i32>} : memref<32x128xf32, #tpu.memory_space<vmem>>, vector<16xf32>,
      %add3A_487 = arith.constant 3 : i32
      %add3A_488 = arith.addi %mul3A_330, %add3A_487 : i32
      %swap3A_489 = arith.index_cast %add3A_488 : i32 to index
      %swap3A_490 = arith.constant 16 : index
      %swap3A_491 = tpu.vector_load %arg12[%swap3A_489, %swap3A_490] {strides = array<i32>} : memref<32x128xf32, #tpu.memory_space<vmem>>, vector<16xf32>,
      tpu.vector_store %arg12[%swap3A_489, %swap3A_490], %gather3A_473 {strides = array<i32>} : memref<32x128xf32, #tpu.memory_space<vmem>>, vector<16xf32>,
      %add3A_492 = arith.constant 3 : i32
      %add3A_493 = arith.addi %mul3A_330, %add3A_492 : i32
      %swap3A_494 = arith.index_cast %add3A_493 : i32 to index
      %swap3A_495 = arith.constant 32 : index
      %swap3A_496 = tpu.vector_load %arg12[%swap3A_494, %swap3A_495] {strides = array<i32>} : memref<32x128xf32, #tpu.memory_space<vmem>>, vector<16xf32>,
      tpu.vector_store %arg12[%swap3A_494, %swap3A_495], %gather3A_477 {strides = array<i32>} : memref<32x128xf32, #tpu.memory_space<vmem>>, vector<16xf32>,
      %add3A_497 = arith.constant 3 : i32
      %add3A_498 = arith.addi %mul3A_330, %add3A_497 : i32
      %swap3A_499 = arith.index_cast %add3A_498 : i32 to index
      %swap3A_500 = arith.constant 48 : index
      %swap3A_501 = tpu.vector_load %arg12[%swap3A_499, %swap3A_500] {strides = array<i32>} : memref<32x128xf32, #tpu.memory_space<vmem>>, vector<16xf32>,
      tpu.vector_store %arg12[%swap3A_499, %swap3A_500], %gather3A_481 {strides = array<i32>} : memref<32x128xf32, #tpu.memory_space<vmem>>, vector<16xf32>,
      %add3A_502 = arith.constant 4 : i32
      %add3A_503 = vector.broadcast %add3A_502 : i32 to vector<16xi32>
      %add3A_504 = arith.addi %get3A_338, %add3A_503 : vector<16xi32>
      %gather3A_505 = tpu.vector_load_idx %arg7[%add3A_504] : memref<24192xf32, #tpu.memory_space<vmem>>[vector<16xi32>], vector<16xf32>,
      %add3A_506 = arith.constant 4 : i32
      %add3A_507 = vector.broadcast %add3A_506 : i32 to vector<16xi32>
      %add3A_508 = arith.addi %get3A_345, %add3A_507 : vector<16xi32>
      %gather3A_509 = tpu.vector_load_idx %arg7[%add3A_508] : memref<24192xf32, #tpu.memory_space<vmem>>[vector<16xi32>], vector<16xf32>,
      %add3A_510 = arith.constant 4 : i32
      %add3A_511 = vector.broadcast %add3A_510 : i32 to vector<16xi32>
      %add3A_512 = arith.addi %get3A_352, %add3A_511 : vector<16xi32>
      %gather3A_513 = tpu.vector_load_idx %arg7[%add3A_512] : memref<24192xf32, #tpu.memory_space<vmem>>[vector<16xi32>], vector<16xf32>,
      %add3A_514 = arith.constant 4 : i32
      %add3A_515 = vector.broadcast %add3A_514 : i32 to vector<16xi32>
      %add3A_516 = arith.addi %get3A_359, %add3A_515 : vector<16xi32>
      %gather3A_517 = tpu.vector_load_idx %arg7[%add3A_516] : memref<24192xf32, #tpu.memory_space<vmem>>[vector<16xi32>], vector<16xf32>,
      %add3A_518 = arith.constant 4 : i32
      %add3A_519 = arith.addi %mul3A_330, %add3A_518 : i32
      %swap3A_520 = arith.index_cast %add3A_519 : i32 to index
      %swap3A_521 = arith.constant 0 : index
      %swap3A_522 = tpu.vector_load %arg12[%swap3A_520, %swap3A_521] {strides = array<i32>} : memref<32x128xf32, #tpu.memory_space<vmem>>, vector<16xf32>,
      tpu.vector_store %arg12[%swap3A_520, %swap3A_521], %gather3A_505 {strides = array<i32>} : memref<32x128xf32, #tpu.memory_space<vmem>>, vector<16xf32>,
      %add3A_523 = arith.constant 4 : i32
      %add3A_524 = arith.addi %mul3A_330, %add3A_523 : i32
      %swap3A_525 = arith.index_cast %add3A_524 : i32 to index
      %swap3A_526 = arith.constant 16 : index
      %swap3A_527 = tpu.vector_load %arg12[%swap3A_525, %swap3A_526] {strides = array<i32>} : memref<32x128xf32, #tpu.memory_space<vmem>>, vector<16xf32>,
      tpu.vector_store %arg12[%swap3A_525, %swap3A_526], %gather3A_509 {strides = array<i32>} : memref<32x128xf32, #tpu.memory_space<vmem>>, vector<16xf32>,
      %add3A_528 = arith.constant 4 : i32
      %add3A_529 = arith.addi %mul3A_330, %add3A_528 : i32
      %swap3A_530 = arith.index_cast %add3A_529 : i32 to index
      %swap3A_531 = arith.constant 32 : index
      %swap3A_532 = tpu.vector_load %arg12[%swap3A_530, %swap3A_531] {strides = array<i32>} : memref<32x128xf32, #tpu.memory_space<vmem>>, vector<16xf32>,
      tpu.vector_store %arg12[%swap3A_530, %swap3A_531], %gather3A_513 {strides = array<i32>} : memref<32x128xf32, #tpu.memory_space<vmem>>, vector<16xf32>,
      %add3A_533 = arith.constant 4 : i32
      %add3A_534 = arith.addi %mul3A_330, %add3A_533 : i32
      %swap3A_535 = arith.index_cast %add3A_534 : i32 to index
      %swap3A_536 = arith.constant 48 : index
      %swap3A_537 = tpu.vector_load %arg12[%swap3A_535, %swap3A_536] {strides = array<i32>} : memref<32x128xf32, #tpu.memory_space<vmem>>, vector<16xf32>,
      tpu.vector_store %arg12[%swap3A_535, %swap3A_536], %gather3A_517 {strides = array<i32>} : memref<32x128xf32, #tpu.memory_space<vmem>>, vector<16xf32>,
      %add3A_538 = arith.constant 5 : i32
      %add3A_539 = vector.broadcast %add3A_538 : i32 to vector<16xi32>
      %add3A_540 = arith.addi %get3A_338, %add3A_539 : vector<16xi32>
      %gather3A_541 = tpu.vector_load_idx %arg7[%add3A_540] : memref<24192xf32, #tpu.memory_space<vmem>>[vector<16xi32>], vector<16xf32>,
      %add3A_542 = arith.constant 5 : i32
      %add3A_543 = vector.broadcast %add3A_542 : i32 to vector<16xi32>
      %add3A_544 = arith.addi %get3A_345, %add3A_543 : vector<16xi32>
      %gather3A_545 = tpu.vector_load_idx %arg7[%add3A_544] : memref<24192xf32, #tpu.memory_space<vmem>>[vector<16xi32>], vector<16xf32>,
      %add3A_546 = arith.constant 5 : i32
      %add3A_547 = vector.broadcast %add3A_546 : i32 to vector<16xi32>
      %add3A_548 = arith.addi %get3A_352, %add3A_547 : vector<16xi32>
      %gather3A_549 = tpu.vector_load_idx %arg7[%add3A_548] : memref<24192xf32, #tpu.memory_space<vmem>>[vector<16xi32>], vector<16xf32>,
      %add3A_550 = arith.constant 5 : i32
      %add3A_551 = vector.broadcast %add3A_550 : i32 to vector<16xi32>
      %add3A_552 = arith.addi %get3A_359, %add3A_551 : vector<16xi32>
      %gather3A_553 = tpu.vector_load_idx %arg7[%add3A_552] : memref<24192xf32, #tpu.memory_space<vmem>>[vector<16xi32>], vector<16xf32>,
      %add3A_554 = arith.constant 5 : i32
      %add3A_555 = arith.addi %mul3A_330, %add3A_554 : i32
      %swap3A_556 = arith.index_cast %add3A_555 : i32 to index
      %swap3A_557 = arith.constant 0 : index
      %swap3A_558 = tpu.vector_load %arg12[%swap3A_556, %swap3A_557] {strides = array<i32>} : memref<32x128xf32, #tpu.memory_space<vmem>>, vector<16xf32>,
      tpu.vector_store %arg12[%swap3A_556, %swap3A_557], %gather3A_541 {strides = array<i32>} : memref<32x128xf32, #tpu.memory_space<vmem>>, vector<16xf32>,
      %add3A_559 = arith.constant 5 : i32
      %add3A_560 = arith.addi %mul3A_330, %add3A_559 : i32
      %swap3A_561 = arith.index_cast %add3A_560 : i32 to index
      %swap3A_562 = arith.constant 16 : index
      %swap3A_563 = tpu.vector_load %arg12[%swap3A_561, %swap3A_562] {strides = array<i32>} : memref<32x128xf32, #tpu.memory_space<vmem>>, vector<16xf32>,
      tpu.vector_store %arg12[%swap3A_561, %swap3A_562], %gather3A_545 {strides = array<i32>} : memref<32x128xf32, #tpu.memory_space<vmem>>, vector<16xf32>,
      %add3A_564 = arith.constant 5 : i32
      %add3A_565 = arith.addi %mul3A_330, %add3A_564 : i32
      %swap3A_566 = arith.index_cast %add3A_565 : i32 to index
      %swap3A_567 = arith.constant 32 : index
      %swap3A_568 = tpu.vector_load %arg12[%swap3A_566, %swap3A_567] {strides = array<i32>} : memref<32x128xf32, #tpu.memory_space<vmem>>, vector<16xf32>,
      tpu.vector_store %arg12[%swap3A_566, %swap3A_567], %gather3A_549 {strides = array<i32>} : memref<32x128xf32, #tpu.memory_space<vmem>>, vector<16xf32>,
      %add3A_569 = arith.constant 5 : i32
      %add3A_570 = arith.addi %mul3A_330, %add3A_569 : i32
      %swap3A_571 = arith.index_cast %add3A_570 : i32 to index
      %swap3A_572 = arith.constant 48 : index
      %swap3A_573 = tpu.vector_load %arg12[%swap3A_571, %swap3A_572] {strides = array<i32>} : memref<32x128xf32, #tpu.memory_space<vmem>>, vector<16xf32>,
      tpu.vector_store %arg12[%swap3A_571, %swap3A_572], %gather3A_553 {strides = array<i32>} : memref<32x128xf32, #tpu.memory_space<vmem>>, vector<16xf32>,
      %add3A_574 = arith.constant 6 : i32
      %add3A_575 = vector.broadcast %add3A_574 : i32 to vector<16xi32>
      %add3A_576 = arith.addi %get3A_338, %add3A_575 : vector<16xi32>
      %gather3A_577 = tpu.vector_load_idx %arg7[%add3A_576] : memref<24192xf32, #tpu.memory_space<vmem>>[vector<16xi32>], vector<16xf32>,
      %add3A_578 = arith.constant 6 : i32
      %add3A_579 = vector.broadcast %add3A_578 : i32 to vector<16xi32>
      %add3A_580 = arith.addi %get3A_345, %add3A_579 : vector<16xi32>
      %gather3A_581 = tpu.vector_load_idx %arg7[%add3A_580] : memref<24192xf32, #tpu.memory_space<vmem>>[vector<16xi32>], vector<16xf32>,
      %add3A_582 = arith.constant 6 : i32
      %add3A_583 = vector.broadcast %add3A_582 : i32 to vector<16xi32>
      %add3A_584 = arith.addi %get3A_352, %add3A_583 : vector<16xi32>
      %gather3A_585 = tpu.vector_load_idx %arg7[%add3A_584] : memref<24192xf32, #tpu.memory_space<vmem>>[vector<16xi32>], vector<16xf32>,
      %add3A_586 = arith.constant 6 : i32
      %add3A_587 = vector.broadcast %add3A_586 : i32 to vector<16xi32>
      %add3A_588 = arith.addi %get3A_359, %add3A_587 : vector<16xi32>
      %gather3A_589 = tpu.vector_load_idx %arg7[%add3A_588] : memref<24192xf32, #tpu.memory_space<vmem>>[vector<16xi32>], vector<16xf32>,
      %add3A_590 = arith.constant 6 : i32
      %add3A_591 = arith.addi %mul3A_330, %add3A_590 : i32
      %swap3A_592 = arith.index_cast %add3A_591 : i32 to index
      %swap3A_593 = arith.constant 0 : index
      %swap3A_594 = tpu.vector_load %arg12[%swap3A_592, %swap3A_593] {strides = array<i32>} : memref<32x128xf32, #tpu.memory_space<vmem>>, vector<16xf32>,
      tpu.vector_store %arg12[%swap3A_592, %swap3A_593], %gather3A_577 {strides = array<i32>} : memref<32x128xf32, #tpu.memory_space<vmem>>, vector<16xf32>,
      %add3A_595 = arith.constant 6 : i32
      %add3A_596 = arith.addi %mul3A_330, %add3A_595 : i32
      %swap3A_597 = arith.index_cast %add3A_596 : i32 to index
      %swap3A_598 = arith.constant 16 : index
      %swap3A_599 = tpu.vector_load %arg12[%swap3A_597, %swap3A_598] {strides = array<i32>} : memref<32x128xf32, #tpu.memory_space<vmem>>, vector<16xf32>,
      tpu.vector_store %arg12[%swap3A_597, %swap3A_598], %gather3A_581 {strides = array<i32>} : memref<32x128xf32, #tpu.memory_space<vmem>>, vector<16xf32>,
      %add3A_600 = arith.constant 6 : i32
      %add3A_601 = arith.addi %mul3A_330, %add3A_600 : i32
      %swap3A_602 = arith.index_cast %add3A_601 : i32 to index
      %swap3A_603 = arith.constant 32 : index
      %swap3A_604 = tpu.vector_load %arg12[%swap3A_602, %swap3A_603] {strides = array<i32>} : memref<32x128xf32, #tpu.memory_space<vmem>>, vector<16xf32>,
      tpu.vector_store %arg12[%swap3A_602, %swap3A_603], %gather3A_585 {strides = array<i32>} : memref<32x128xf32, #tpu.memory_space<vmem>>, vector<16xf32>,
      %add3A_605 = arith.constant 6 : i32
      %add3A_606 = arith.addi %mul3A_330, %add3A_605 : i32
      %swap3A_607 = arith.index_cast %add3A_606 : i32 to index
      %swap3A_608 = arith.constant 48 : index
      %swap3A_609 = tpu.vector_load %arg12[%swap3A_607, %swap3A_608] {strides = array<i32>} : memref<32x128xf32, #tpu.memory_space<vmem>>, vector<16xf32>,
      tpu.vector_store %arg12[%swap3A_607, %swap3A_608], %gather3A_589 {strides = array<i32>} : memref<32x128xf32, #tpu.memory_space<vmem>>, vector<16xf32>,
      %add3A_610 = arith.constant 7 : i32
      %add3A_611 = vector.broadcast %add3A_610 : i32 to vector<16xi32>
      %add3A_612 = arith.addi %get3A_338, %add3A_611 : vector<16xi32>
      %gather3A_613 = tpu.vector_load_idx %arg7[%add3A_612] : memref<24192xf32, #tpu.memory_space<vmem>>[vector<16xi32>], vector<16xf32>,
      %add3A_614 = arith.constant 7 : i32
      %add3A_615 = vector.broadcast %add3A_614 : i32 to vector<16xi32>
      %add3A_616 = arith.addi %get3A_345, %add3A_615 : vector<16xi32>
      %gather3A_617 = tpu.vector_load_idx %arg7[%add3A_616] : memref<24192xf32, #tpu.memory_space<vmem>>[vector<16xi32>], vector<16xf32>,
      %add3A_618 = arith.constant 7 : i32
      %add3A_619 = vector.broadcast %add3A_618 : i32 to vector<16xi32>
      %add3A_620 = arith.addi %get3A_352, %add3A_619 : vector<16xi32>
      %gather3A_621 = tpu.vector_load_idx %arg7[%add3A_620] : memref<24192xf32, #tpu.memory_space<vmem>>[vector<16xi32>], vector<16xf32>,
      %add3A_622 = arith.constant 7 : i32
      %add3A_623 = vector.broadcast %add3A_622 : i32 to vector<16xi32>
      %add3A_624 = arith.addi %get3A_359, %add3A_623 : vector<16xi32>
      %gather3A_625 = tpu.vector_load_idx %arg7[%add3A_624] : memref<24192xf32, #tpu.memory_space<vmem>>[vector<16xi32>], vector<16xf32>,
      %add3A_626 = arith.constant 7 : i32
      %add3A_627 = arith.addi %mul3A_330, %add3A_626 : i32
      %swap3A_628 = arith.index_cast %add3A_627 : i32 to index
      %swap3A_629 = arith.constant 0 : index
      %swap3A_630 = tpu.vector_load %arg12[%swap3A_628, %swap3A_629] {strides = array<i32>} : memref<32x128xf32, #tpu.memory_space<vmem>>, vector<16xf32>,
      tpu.vector_store %arg12[%swap3A_628, %swap3A_629], %gather3A_613 {strides = array<i32>} : memref<32x128xf32, #tpu.memory_space<vmem>>, vector<16xf32>,
      %add3A_631 = arith.constant 7 : i32
      %add3A_632 = arith.addi %mul3A_330, %add3A_631 : i32
      %swap3A_633 = arith.index_cast %add3A_632 : i32 to index
      %swap3A_634 = arith.constant 16 : index
      %swap3A_635 = tpu.vector_load %arg12[%swap3A_633, %swap3A_634] {strides = array<i32>} : memref<32x128xf32, #tpu.memory_space<vmem>>, vector<16xf32>,
      tpu.vector_store %arg12[%swap3A_633, %swap3A_634], %gather3A_617 {strides = array<i32>} : memref<32x128xf32, #tpu.memory_space<vmem>>, vector<16xf32>,
      %add3A_636 = arith.constant 7 : i32
      %add3A_637 = arith.addi %mul3A_330, %add3A_636 : i32
      %swap3A_638 = arith.index_cast %add3A_637 : i32 to index
      %swap3A_639 = arith.constant 32 : index
      %swap3A_640 = tpu.vector_load %arg12[%swap3A_638, %swap3A_639] {strides = array<i32>} : memref<32x128xf32, #tpu.memory_space<vmem>>, vector<16xf32>,
      tpu.vector_store %arg12[%swap3A_638, %swap3A_639], %gather3A_621 {strides = array<i32>} : memref<32x128xf32, #tpu.memory_space<vmem>>, vector<16xf32>,
      %add3A_641 = arith.constant 7 : i32
      %add3A_642 = arith.addi %mul3A_330, %add3A_641 : i32
      %swap3A_643 = arith.index_cast %add3A_642 : i32 to index
      %swap3A_644 = arith.constant 48 : index
      %swap3A_645 = tpu.vector_load %arg12[%swap3A_643, %swap3A_644] {strides = array<i32>} : memref<32x128xf32, #tpu.memory_space<vmem>>, vector<16xf32>,
      tpu.vector_store %arg12[%swap3A_643, %swap3A_644], %gather3A_625 {strides = array<i32>} : memref<32x128xf32, #tpu.memory_space<vmem>>, vector<16xf32>,
      %mul3A_646 = arith.constant 8 : i32
      %mul3A_647 = arith.muli %scan3A_292, %mul3A_646 : i32
      %add3A_648 = arith.constant 4 : i32
      %add3A_649 = arith.addi %mul3A_647, %add3A_648 : i32
      %get3A_650 = arith.index_cast %add3A_649 : i32 to index
      %get3A_651 = arith.constant 0 : index
      %get3A_652 = tpu.vector_load %arg11[%get3A_650, %get3A_651] {strides = array<i32>} : memref<288x16xi32, #tpu.memory_space<vmem>>, vector<16xi32>,
      %mul3A_653 = arith.constant 8 : i32
      %mul3A_654 = arith.muli %scan3A_292, %mul3A_653 : i32
      %add3A_655 = arith.constant 5 : i32
      %add3A_656 = arith.addi %mul3A_654, %add3A_655 : i32
      %get3A_657 = arith.index_cast %add3A_656 : i32 to index
      %get3A_658 = arith.constant 0 : index
      %get3A_659 = tpu.vector_load %arg11[%get3A_657, %get3A_658] {strides = array<i32>} : memref<288x16xi32, #tpu.memory_space<vmem>>, vector<16xi32>,
      %mul3A_660 = arith.constant 8 : i32
      %mul3A_661 = arith.muli %scan3A_292, %mul3A_660 : i32
      %add3A_662 = arith.constant 6 : i32
      %add3A_663 = arith.addi %mul3A_661, %add3A_662 : i32
      %get3A_664 = arith.index_cast %add3A_663 : i32 to index
      %get3A_665 = arith.constant 0 : index
      %get3A_666 = tpu.vector_load %arg11[%get3A_664, %get3A_665] {strides = array<i32>} : memref<288x16xi32, #tpu.memory_space<vmem>>, vector<16xi32>,
      %mul3A_667 = arith.constant 8 : i32
      %mul3A_668 = arith.muli %scan3A_292, %mul3A_667 : i32
      %add3A_669 = arith.constant 7 : i32
      %add3A_670 = arith.addi %mul3A_668, %add3A_669 : i32
      %get3A_671 = arith.index_cast %add3A_670 : i32 to index
      %get3A_672 = arith.constant 0 : index
      %get3A_673 = tpu.vector_load %arg11[%get3A_671, %get3A_672] {strides = array<i32>} : memref<288x16xi32, #tpu.memory_space<vmem>>, vector<16xi32>,
      %add3A_674 = arith.constant 0 : i32
      %add3A_675 = vector.broadcast %add3A_674 : i32 to vector<16xi32>
      %add3A_676 = arith.addi %get3A_652, %add3A_675 : vector<16xi32>
      %gather3A_677 = tpu.vector_load_idx %arg7[%add3A_676] : memref<24192xf32, #tpu.memory_space<vmem>>[vector<16xi32>], vector<16xf32>,
      %add3A_678 = arith.constant 0 : i32
      %add3A_679 = vector.broadcast %add3A_678 : i32 to vector<16xi32>
      %add3A_680 = arith.addi %get3A_659, %add3A_679 : vector<16xi32>
      %gather3A_681 = tpu.vector_load_idx %arg7[%add3A_680] : memref<24192xf32, #tpu.memory_space<vmem>>[vector<16xi32>], vector<16xf32>,
      %add3A_682 = arith.constant 0 : i32
      %add3A_683 = vector.broadcast %add3A_682 : i32 to vector<16xi32>
      %add3A_684 = arith.addi %get3A_666, %add3A_683 : vector<16xi32>
      %gather3A_685 = tpu.vector_load_idx %arg7[%add3A_684] : memref<24192xf32, #tpu.memory_space<vmem>>[vector<16xi32>], vector<16xf32>,
      %add3A_686 = arith.constant 0 : i32
      %add3A_687 = vector.broadcast %add3A_686 : i32 to vector<16xi32>
      %add3A_688 = arith.addi %get3A_673, %add3A_687 : vector<16xi32>
      %gather3A_689 = tpu.vector_load_idx %arg7[%add3A_688] : memref<24192xf32, #tpu.memory_space<vmem>>[vector<16xi32>], vector<16xf32>,
      %add3A_690 = arith.constant 0 : i32
      %add3A_691 = arith.addi %mul3A_330, %add3A_690 : i32
      %swap3A_692 = arith.index_cast %add3A_691 : i32 to index
      %swap3A_693 = arith.constant 64 : index
      %swap3A_694 = tpu.vector_load %arg12[%swap3A_692, %swap3A_693] {strides = array<i32>} : memref<32x128xf32, #tpu.memory_space<vmem>>, vector<16xf32>,
      tpu.vector_store %arg12[%swap3A_692, %swap3A_693], %gather3A_677 {strides = array<i32>} : memref<32x128xf32, #tpu.memory_space<vmem>>, vector<16xf32>,
      %add3A_695 = arith.constant 0 : i32
      %add3A_696 = arith.addi %mul3A_330, %add3A_695 : i32
      %swap3A_697 = arith.index_cast %add3A_696 : i32 to index
      %swap3A_698 = arith.constant 80 : index
      %swap3A_699 = tpu.vector_load %arg12[%swap3A_697, %swap3A_698] {strides = array<i32>} : memref<32x128xf32, #tpu.memory_space<vmem>>, vector<16xf32>,
      tpu.vector_store %arg12[%swap3A_697, %swap3A_698], %gather3A_681 {strides = array<i32>} : memref<32x128xf32, #tpu.memory_space<vmem>>, vector<16xf32>,
      %add3A_700 = arith.constant 0 : i32
      %add3A_701 = arith.addi %mul3A_330, %add3A_700 : i32
      %swap3A_702 = arith.index_cast %add3A_701 : i32 to index
      %swap3A_703 = arith.constant 96 : index
      %swap3A_704 = tpu.vector_load %arg12[%swap3A_702, %swap3A_703] {strides = array<i32>} : memref<32x128xf32, #tpu.memory_space<vmem>>, vector<16xf32>,
      tpu.vector_store %arg12[%swap3A_702, %swap3A_703], %gather3A_685 {strides = array<i32>} : memref<32x128xf32, #tpu.memory_space<vmem>>, vector<16xf32>,
      %add3A_705 = arith.constant 0 : i32
      %add3A_706 = arith.addi %mul3A_330, %add3A_705 : i32
      %swap3A_707 = arith.index_cast %add3A_706 : i32 to index
      %swap3A_708 = arith.constant 112 : index
      %swap3A_709 = tpu.vector_load %arg12[%swap3A_707, %swap3A_708] {strides = array<i32>} : memref<32x128xf32, #tpu.memory_space<vmem>>, vector<16xf32>,
      tpu.vector_store %arg12[%swap3A_707, %swap3A_708], %gather3A_689 {strides = array<i32>} : memref<32x128xf32, #tpu.memory_space<vmem>>, vector<16xf32>,
      %add3A_710 = arith.constant 1 : i32
      %add3A_711 = vector.broadcast %add3A_710 : i32 to vector<16xi32>
      %add3A_712 = arith.addi %get3A_652, %add3A_711 : vector<16xi32>
      %gather3A_713 = tpu.vector_load_idx %arg7[%add3A_712] : memref<24192xf32, #tpu.memory_space<vmem>>[vector<16xi32>], vector<16xf32>,
      %add3A_714 = arith.constant 1 : i32
      %add3A_715 = vector.broadcast %add3A_714 : i32 to vector<16xi32>
      %add3A_716 = arith.addi %get3A_659, %add3A_715 : vector<16xi32>
      %gather3A_717 = tpu.vector_load_idx %arg7[%add3A_716] : memref<24192xf32, #tpu.memory_space<vmem>>[vector<16xi32>], vector<16xf32>,
      %add3A_718 = arith.constant 1 : i32
      %add3A_719 = vector.broadcast %add3A_718 : i32 to vector<16xi32>
      %add3A_720 = arith.addi %get3A_666, %add3A_719 : vector<16xi32>
      %gather3A_721 = tpu.vector_load_idx %arg7[%add3A_720] : memref<24192xf32, #tpu.memory_space<vmem>>[vector<16xi32>], vector<16xf32>,
      %add3A_722 = arith.constant 1 : i32
      %add3A_723 = vector.broadcast %add3A_722 : i32 to vector<16xi32>
      %add3A_724 = arith.addi %get3A_673, %add3A_723 : vector<16xi32>
      %gather3A_725 = tpu.vector_load_idx %arg7[%add3A_724] : memref<24192xf32, #tpu.memory_space<vmem>>[vector<16xi32>], vector<16xf32>,
      %add3A_726 = arith.constant 1 : i32
      %add3A_727 = arith.addi %mul3A_330, %add3A_726 : i32
      %swap3A_728 = arith.index_cast %add3A_727 : i32 to index
      %swap3A_729 = arith.constant 64 : index
      %swap3A_730 = tpu.vector_load %arg12[%swap3A_728, %swap3A_729] {strides = array<i32>} : memref<32x128xf32, #tpu.memory_space<vmem>>, vector<16xf32>,
      tpu.vector_store %arg12[%swap3A_728, %swap3A_729], %gather3A_713 {strides = array<i32>} : memref<32x128xf32, #tpu.memory_space<vmem>>, vector<16xf32>,
      %add3A_731 = arith.constant 1 : i32
      %add3A_732 = arith.addi %mul3A_330, %add3A_731 : i32
      %swap3A_733 = arith.index_cast %add3A_732 : i32 to index
      %swap3A_734 = arith.constant 80 : index
      %swap3A_735 = tpu.vector_load %arg12[%swap3A_733, %swap3A_734] {strides = array<i32>} : memref<32x128xf32, #tpu.memory_space<vmem>>, vector<16xf32>,
      tpu.vector_store %arg12[%swap3A_733, %swap3A_734], %gather3A_717 {strides = array<i32>} : memref<32x128xf32, #tpu.memory_space<vmem>>, vector<16xf32>,
      %add3A_736 = arith.constant 1 : i32
      %add3A_737 = arith.addi %mul3A_330, %add3A_736 : i32
      %swap3A_738 = arith.index_cast %add3A_737 : i32 to index
      %swap3A_739 = arith.constant 96 : index
      %swap3A_740 = tpu.vector_load %arg12[%swap3A_738, %swap3A_739] {strides = array<i32>} : memref<32x128xf32, #tpu.memory_space<vmem>>, vector<16xf32>,
      tpu.vector_store %arg12[%swap3A_738, %swap3A_739], %gather3A_721 {strides = array<i32>} : memref<32x128xf32, #tpu.memory_space<vmem>>, vector<16xf32>,
      %add3A_741 = arith.constant 1 : i32
      %add3A_742 = arith.addi %mul3A_330, %add3A_741 : i32
      %swap3A_743 = arith.index_cast %add3A_742 : i32 to index
      %swap3A_744 = arith.constant 112 : index
      %swap3A_745 = tpu.vector_load %arg12[%swap3A_743, %swap3A_744] {strides = array<i32>} : memref<32x128xf32, #tpu.memory_space<vmem>>, vector<16xf32>,
      tpu.vector_store %arg12[%swap3A_743, %swap3A_744], %gather3A_725 {strides = array<i32>} : memref<32x128xf32, #tpu.memory_space<vmem>>, vector<16xf32>,
      %add3A_746 = arith.constant 2 : i32
      %add3A_747 = vector.broadcast %add3A_746 : i32 to vector<16xi32>
      %add3A_748 = arith.addi %get3A_652, %add3A_747 : vector<16xi32>
      %gather3A_749 = tpu.vector_load_idx %arg7[%add3A_748] : memref<24192xf32, #tpu.memory_space<vmem>>[vector<16xi32>], vector<16xf32>,
      %add3A_750 = arith.constant 2 : i32
      %add3A_751 = vector.broadcast %add3A_750 : i32 to vector<16xi32>
      %add3A_752 = arith.addi %get3A_659, %add3A_751 : vector<16xi32>
      %gather3A_753 = tpu.vector_load_idx %arg7[%add3A_752] : memref<24192xf32, #tpu.memory_space<vmem>>[vector<16xi32>], vector<16xf32>,
      %add3A_754 = arith.constant 2 : i32
      %add3A_755 = vector.broadcast %add3A_754 : i32 to vector<16xi32>
      %add3A_756 = arith.addi %get3A_666, %add3A_755 : vector<16xi32>
      %gather3A_757 = tpu.vector_load_idx %arg7[%add3A_756] : memref<24192xf32, #tpu.memory_space<vmem>>[vector<16xi32>], vector<16xf32>,
      %add3A_758 = arith.constant 2 : i32
      %add3A_759 = vector.broadcast %add3A_758 : i32 to vector<16xi32>
      %add3A_760 = arith.addi %get3A_673, %add3A_759 : vector<16xi32>
      %gather3A_761 = tpu.vector_load_idx %arg7[%add3A_760] : memref<24192xf32, #tpu.memory_space<vmem>>[vector<16xi32>], vector<16xf32>,
      %add3A_762 = arith.constant 2 : i32
      %add3A_763 = arith.addi %mul3A_330, %add3A_762 : i32
      %swap3A_764 = arith.index_cast %add3A_763 : i32 to index
      %swap3A_765 = arith.constant 64 : index
      %swap3A_766 = tpu.vector_load %arg12[%swap3A_764, %swap3A_765] {strides = array<i32>} : memref<32x128xf32, #tpu.memory_space<vmem>>, vector<16xf32>,
      tpu.vector_store %arg12[%swap3A_764, %swap3A_765], %gather3A_749 {strides = array<i32>} : memref<32x128xf32, #tpu.memory_space<vmem>>, vector<16xf32>,
      %add3A_767 = arith.constant 2 : i32
      %add3A_768 = arith.addi %mul3A_330, %add3A_767 : i32
      %swap3A_769 = arith.index_cast %add3A_768 : i32 to index
      %swap3A_770 = arith.constant 80 : index
      %swap3A_771 = tpu.vector_load %arg12[%swap3A_769, %swap3A_770] {strides = array<i32>} : memref<32x128xf32, #tpu.memory_space<vmem>>, vector<16xf32>,
      tpu.vector_store %arg12[%swap3A_769, %swap3A_770], %gather3A_753 {strides = array<i32>} : memref<32x128xf32, #tpu.memory_space<vmem>>, vector<16xf32>,
      %add3A_772 = arith.constant 2 : i32
      %add3A_773 = arith.addi %mul3A_330, %add3A_772 : i32
      %swap3A_774 = arith.index_cast %add3A_773 : i32 to index
      %swap3A_775 = arith.constant 96 : index
      %swap3A_776 = tpu.vector_load %arg12[%swap3A_774, %swap3A_775] {strides = array<i32>} : memref<32x128xf32, #tpu.memory_space<vmem>>, vector<16xf32>,
      tpu.vector_store %arg12[%swap3A_774, %swap3A_775], %gather3A_757 {strides = array<i32>} : memref<32x128xf32, #tpu.memory_space<vmem>>, vector<16xf32>,
      %add3A_777 = arith.constant 2 : i32
      %add3A_778 = arith.addi %mul3A_330, %add3A_777 : i32
      %swap3A_779 = arith.index_cast %add3A_778 : i32 to index
      %swap3A_780 = arith.constant 112 : index
      %swap3A_781 = tpu.vector_load %arg12[%swap3A_779, %swap3A_780] {strides = array<i32>} : memref<32x128xf32, #tpu.memory_space<vmem>>, vector<16xf32>,
      tpu.vector_store %arg12[%swap3A_779, %swap3A_780], %gather3A_761 {strides = array<i32>} : memref<32x128xf32, #tpu.memory_space<vmem>>, vector<16xf32>,
      %add3A_782 = arith.constant 3 : i32
      %add3A_783 = vector.broadcast %add3A_782 : i32 to vector<16xi32>
      %add3A_784 = arith.addi %get3A_652, %add3A_783 : vector<16xi32>
      %gather3A_785 = tpu.vector_load_idx %arg7[%add3A_784] : memref<24192xf32, #tpu.memory_space<vmem>>[vector<16xi32>], vector<16xf32>,
      %add3A_786 = arith.constant 3 : i32
      %add3A_787 = vector.broadcast %add3A_786 : i32 to vector<16xi32>
      %add3A_788 = arith.addi %get3A_659, %add3A_787 : vector<16xi32>
      %gather3A_789 = tpu.vector_load_idx %arg7[%add3A_788] : memref<24192xf32, #tpu.memory_space<vmem>>[vector<16xi32>], vector<16xf32>,
      %add3A_790 = arith.constant 3 : i32
      %add3A_791 = vector.broadcast %add3A_790 : i32 to vector<16xi32>
      %add3A_792 = arith.addi %get3A_666, %add3A_791 : vector<16xi32>
      %gather3A_793 = tpu.vector_load_idx %arg7[%add3A_792] : memref<24192xf32, #tpu.memory_space<vmem>>[vector<16xi32>], vector<16xf32>,
      %add3A_794 = arith.constant 3 : i32
      %add3A_795 = vector.broadcast %add3A_794 : i32 to vector<16xi32>
      %add3A_796 = arith.addi %get3A_673, %add3A_795 : vector<16xi32>
      %gather3A_797 = tpu.vector_load_idx %arg7[%add3A_796] : memref<24192xf32, #tpu.memory_space<vmem>>[vector<16xi32>], vector<16xf32>,
      %add3A_798 = arith.constant 3 : i32
      %add3A_799 = arith.addi %mul3A_330, %add3A_798 : i32
      %swap3A_800 = arith.index_cast %add3A_799 : i32 to index
      %swap3A_801 = arith.constant 64 : index
      %swap3A_802 = tpu.vector_load %arg12[%swap3A_800, %swap3A_801] {strides = array<i32>} : memref<32x128xf32, #tpu.memory_space<vmem>>, vector<16xf32>,
      tpu.vector_store %arg12[%swap3A_800, %swap3A_801], %gather3A_785 {strides = array<i32>} : memref<32x128xf32, #tpu.memory_space<vmem>>, vector<16xf32>,
      %add3A_803 = arith.constant 3 : i32
      %add3A_804 = arith.addi %mul3A_330, %add3A_803 : i32
      %swap3A_805 = arith.index_cast %add3A_804 : i32 to index
      %swap3A_806 = arith.constant 80 : index
      %swap3A_807 = tpu.vector_load %arg12[%swap3A_805, %swap3A_806] {strides = array<i32>} : memref<32x128xf32, #tpu.memory_space<vmem>>, vector<16xf32>,
      tpu.vector_store %arg12[%swap3A_805, %swap3A_806], %gather3A_789 {strides = array<i32>} : memref<32x128xf32, #tpu.memory_space<vmem>>, vector<16xf32>,
      %add3A_808 = arith.constant 3 : i32
      %add3A_809 = arith.addi %mul3A_330, %add3A_808 : i32
      %swap3A_810 = arith.index_cast %add3A_809 : i32 to index
      %swap3A_811 = arith.constant 96 : index
      %swap3A_812 = tpu.vector_load %arg12[%swap3A_810, %swap3A_811] {strides = array<i32>} : memref<32x128xf32, #tpu.memory_space<vmem>>, vector<16xf32>,
      tpu.vector_store %arg12[%swap3A_810, %swap3A_811], %gather3A_793 {strides = array<i32>} : memref<32x128xf32, #tpu.memory_space<vmem>>, vector<16xf32>,
      %add3A_813 = arith.constant 3 : i32
      %add3A_814 = arith.addi %mul3A_330, %add3A_813 : i32
      %swap3A_815 = arith.index_cast %add3A_814 : i32 to index
      %swap3A_816 = arith.constant 112 : index
      %swap3A_817 = tpu.vector_load %arg12[%swap3A_815, %swap3A_816] {strides = array<i32>} : memref<32x128xf32, #tpu.memory_space<vmem>>, vector<16xf32>,
      tpu.vector_store %arg12[%swap3A_815, %swap3A_816], %gather3A_797 {strides = array<i32>} : memref<32x128xf32, #tpu.memory_space<vmem>>, vector<16xf32>,
      %add3A_818 = arith.constant 4 : i32
      %add3A_819 = vector.broadcast %add3A_818 : i32 to vector<16xi32>
      %add3A_820 = arith.addi %get3A_652, %add3A_819 : vector<16xi32>
      %gather3A_821 = tpu.vector_load_idx %arg7[%add3A_820] : memref<24192xf32, #tpu.memory_space<vmem>>[vector<16xi32>], vector<16xf32>,
      %add3A_822 = arith.constant 4 : i32
      %add3A_823 = vector.broadcast %add3A_822 : i32 to vector<16xi32>
      %add3A_824 = arith.addi %get3A_659, %add3A_823 : vector<16xi32>
      %gather3A_825 = tpu.vector_load_idx %arg7[%add3A_824] : memref<24192xf32, #tpu.memory_space<vmem>>[vector<16xi32>], vector<16xf32>,
      %add3A_826 = arith.constant 4 : i32
      %add3A_827 = vector.broadcast %add3A_826 : i32 to vector<16xi32>
      %add3A_828 = arith.addi %get3A_666, %add3A_827 : vector<16xi32>
      %gather3A_829 = tpu.vector_load_idx %arg7[%add3A_828] : memref<24192xf32, #tpu.memory_space<vmem>>[vector<16xi32>], vector<16xf32>,
      %add3A_830 = arith.constant 4 : i32
      %add3A_831 = vector.broadcast %add3A_830 : i32 to vector<16xi32>
      %add3A_832 = arith.addi %get3A_673, %add3A_831 : vector<16xi32>
      %gather3A_833 = tpu.vector_load_idx %arg7[%add3A_832] : memref<24192xf32, #tpu.memory_space<vmem>>[vector<16xi32>], vector<16xf32>,
      %add3A_834 = arith.constant 4 : i32
      %add3A_835 = arith.addi %mul3A_330, %add3A_834 : i32
      %swap3A_836 = arith.index_cast %add3A_835 : i32 to index
      %swap3A_837 = arith.constant 64 : index
      %swap3A_838 = tpu.vector_load %arg12[%swap3A_836, %swap3A_837] {strides = array<i32>} : memref<32x128xf32, #tpu.memory_space<vmem>>, vector<16xf32>,
      tpu.vector_store %arg12[%swap3A_836, %swap3A_837], %gather3A_821 {strides = array<i32>} : memref<32x128xf32, #tpu.memory_space<vmem>>, vector<16xf32>,
      %add3A_839 = arith.constant 4 : i32
      %add3A_840 = arith.addi %mul3A_330, %add3A_839 : i32
      %swap3A_841 = arith.index_cast %add3A_840 : i32 to index
      %swap3A_842 = arith.constant 80 : index
      %swap3A_843 = tpu.vector_load %arg12[%swap3A_841, %swap3A_842] {strides = array<i32>} : memref<32x128xf32, #tpu.memory_space<vmem>>, vector<16xf32>,
      tpu.vector_store %arg12[%swap3A_841, %swap3A_842], %gather3A_825 {strides = array<i32>} : memref<32x128xf32, #tpu.memory_space<vmem>>, vector<16xf32>,
      %add3A_844 = arith.constant 4 : i32
      %add3A_845 = arith.addi %mul3A_330, %add3A_844 : i32
      %swap3A_846 = arith.index_cast %add3A_845 : i32 to index
      %swap3A_847 = arith.constant 96 : index
      %swap3A_848 = tpu.vector_load %arg12[%swap3A_846, %swap3A_847] {strides = array<i32>} : memref<32x128xf32, #tpu.memory_space<vmem>>, vector<16xf32>,
      tpu.vector_store %arg12[%swap3A_846, %swap3A_847], %gather3A_829 {strides = array<i32>} : memref<32x128xf32, #tpu.memory_space<vmem>>, vector<16xf32>,
      %add3A_849 = arith.constant 4 : i32
      %add3A_850 = arith.addi %mul3A_330, %add3A_849 : i32
      %swap3A_851 = arith.index_cast %add3A_850 : i32 to index
      %swap3A_852 = arith.constant 112 : index
      %swap3A_853 = tpu.vector_load %arg12[%swap3A_851, %swap3A_852] {strides = array<i32>} : memref<32x128xf32, #tpu.memory_space<vmem>>, vector<16xf32>,
      tpu.vector_store %arg12[%swap3A_851, %swap3A_852], %gather3A_833 {strides = array<i32>} : memref<32x128xf32, #tpu.memory_space<vmem>>, vector<16xf32>,
      %add3A_854 = arith.constant 5 : i32
      %add3A_855 = vector.broadcast %add3A_854 : i32 to vector<16xi32>
      %add3A_856 = arith.addi %get3A_652, %add3A_855 : vector<16xi32>
      %gather3A_857 = tpu.vector_load_idx %arg7[%add3A_856] : memref<24192xf32, #tpu.memory_space<vmem>>[vector<16xi32>], vector<16xf32>,
      %add3A_858 = arith.constant 5 : i32
      %add3A_859 = vector.broadcast %add3A_858 : i32 to vector<16xi32>
      %add3A_860 = arith.addi %get3A_659, %add3A_859 : vector<16xi32>
      %gather3A_861 = tpu.vector_load_idx %arg7[%add3A_860] : memref<24192xf32, #tpu.memory_space<vmem>>[vector<16xi32>], vector<16xf32>,
      %add3A_862 = arith.constant 5 : i32
      %add3A_863 = vector.broadcast %add3A_862 : i32 to vector<16xi32>
      %add3A_864 = arith.addi %get3A_666, %add3A_863 : vector<16xi32>
      %gather3A_865 = tpu.vector_load_idx %arg7[%add3A_864] : memref<24192xf32, #tpu.memory_space<vmem>>[vector<16xi32>], vector<16xf32>,
      %add3A_866 = arith.constant 5 : i32
      %add3A_867 = vector.broadcast %add3A_866 : i32 to vector<16xi32>
      %add3A_868 = arith.addi %get3A_673, %add3A_867 : vector<16xi32>
      %gather3A_869 = tpu.vector_load_idx %arg7[%add3A_868] : memref<24192xf32, #tpu.memory_space<vmem>>[vector<16xi32>], vector<16xf32>,
      %add3A_870 = arith.constant 5 : i32
      %add3A_871 = arith.addi %mul3A_330, %add3A_870 : i32
      %swap3A_872 = arith.index_cast %add3A_871 : i32 to index
      %swap3A_873 = arith.constant 64 : index
      %swap3A_874 = tpu.vector_load %arg12[%swap3A_872, %swap3A_873] {strides = array<i32>} : memref<32x128xf32, #tpu.memory_space<vmem>>, vector<16xf32>,
      tpu.vector_store %arg12[%swap3A_872, %swap3A_873], %gather3A_857 {strides = array<i32>} : memref<32x128xf32, #tpu.memory_space<vmem>>, vector<16xf32>,
      %add3A_875 = arith.constant 5 : i32
      %add3A_876 = arith.addi %mul3A_330, %add3A_875 : i32
      %swap3A_877 = arith.index_cast %add3A_876 : i32 to index
      %swap3A_878 = arith.constant 80 : index
      %swap3A_879 = tpu.vector_load %arg12[%swap3A_877, %swap3A_878] {strides = array<i32>} : memref<32x128xf32, #tpu.memory_space<vmem>>, vector<16xf32>,
      tpu.vector_store %arg12[%swap3A_877, %swap3A_878], %gather3A_861 {strides = array<i32>} : memref<32x128xf32, #tpu.memory_space<vmem>>, vector<16xf32>,
      %add3A_880 = arith.constant 5 : i32
      %add3A_881 = arith.addi %mul3A_330, %add3A_880 : i32
      %swap3A_882 = arith.index_cast %add3A_881 : i32 to index
      %swap3A_883 = arith.constant 96 : index
      %swap3A_884 = tpu.vector_load %arg12[%swap3A_882, %swap3A_883] {strides = array<i32>} : memref<32x128xf32, #tpu.memory_space<vmem>>, vector<16xf32>,
      tpu.vector_store %arg12[%swap3A_882, %swap3A_883], %gather3A_865 {strides = array<i32>} : memref<32x128xf32, #tpu.memory_space<vmem>>, vector<16xf32>,
      %add3A_885 = arith.constant 5 : i32
      %add3A_886 = arith.addi %mul3A_330, %add3A_885 : i32
      %swap3A_887 = arith.index_cast %add3A_886 : i32 to index
      %swap3A_888 = arith.constant 112 : index
      %swap3A_889 = tpu.vector_load %arg12[%swap3A_887, %swap3A_888] {strides = array<i32>} : memref<32x128xf32, #tpu.memory_space<vmem>>, vector<16xf32>,
      tpu.vector_store %arg12[%swap3A_887, %swap3A_888], %gather3A_869 {strides = array<i32>} : memref<32x128xf32, #tpu.memory_space<vmem>>, vector<16xf32>,
      %add3A_890 = arith.constant 6 : i32
      %add3A_891 = vector.broadcast %add3A_890 : i32 to vector<16xi32>
      %add3A_892 = arith.addi %get3A_652, %add3A_891 : vector<16xi32>
      %gather3A_893 = tpu.vector_load_idx %arg7[%add3A_892] : memref<24192xf32, #tpu.memory_space<vmem>>[vector<16xi32>], vector<16xf32>,
      %add3A_894 = arith.constant 6 : i32
      %add3A_895 = vector.broadcast %add3A_894 : i32 to vector<16xi32>
      %add3A_896 = arith.addi %get3A_659, %add3A_895 : vector<16xi32>
      %gather3A_897 = tpu.vector_load_idx %arg7[%add3A_896] : memref<24192xf32, #tpu.memory_space<vmem>>[vector<16xi32>], vector<16xf32>,
      %add3A_898 = arith.constant 6 : i32
      %add3A_899 = vector.broadcast %add3A_898 : i32 to vector<16xi32>
      %add3A_900 = arith.addi %get3A_666, %add3A_899 : vector<16xi32>
      %gather3A_901 = tpu.vector_load_idx %arg7[%add3A_900] : memref<24192xf32, #tpu.memory_space<vmem>>[vector<16xi32>], vector<16xf32>,
      %add3A_902 = arith.constant 6 : i32
      %add3A_903 = vector.broadcast %add3A_902 : i32 to vector<16xi32>
      %add3A_904 = arith.addi %get3A_673, %add3A_903 : vector<16xi32>
      %gather3A_905 = tpu.vector_load_idx %arg7[%add3A_904] : memref<24192xf32, #tpu.memory_space<vmem>>[vector<16xi32>], vector<16xf32>,
      %add3A_906 = arith.constant 6 : i32
      %add3A_907 = arith.addi %mul3A_330, %add3A_906 : i32
      %swap3A_908 = arith.index_cast %add3A_907 : i32 to index
      %swap3A_909 = arith.constant 64 : index
      %swap3A_910 = tpu.vector_load %arg12[%swap3A_908, %swap3A_909] {strides = array<i32>} : memref<32x128xf32, #tpu.memory_space<vmem>>, vector<16xf32>,
      tpu.vector_store %arg12[%swap3A_908, %swap3A_909], %gather3A_893 {strides = array<i32>} : memref<32x128xf32, #tpu.memory_space<vmem>>, vector<16xf32>,
      %add3A_911 = arith.constant 6 : i32
      %add3A_912 = arith.addi %mul3A_330, %add3A_911 : i32
      %swap3A_913 = arith.index_cast %add3A_912 : i32 to index
      %swap3A_914 = arith.constant 80 : index
      %swap3A_915 = tpu.vector_load %arg12[%swap3A_913, %swap3A_914] {strides = array<i32>} : memref<32x128xf32, #tpu.memory_space<vmem>>, vector<16xf32>,
      tpu.vector_store %arg12[%swap3A_913, %swap3A_914], %gather3A_897 {strides = array<i32>} : memref<32x128xf32, #tpu.memory_space<vmem>>, vector<16xf32>,
      %add3A_916 = arith.constant 6 : i32
      %add3A_917 = arith.addi %mul3A_330, %add3A_916 : i32
      %swap3A_918 = arith.index_cast %add3A_917 : i32 to index
      %swap3A_919 = arith.constant 96 : index
      %swap3A_920 = tpu.vector_load %arg12[%swap3A_918, %swap3A_919] {strides = array<i32>} : memref<32x128xf32, #tpu.memory_space<vmem>>, vector<16xf32>,
      tpu.vector_store %arg12[%swap3A_918, %swap3A_919], %gather3A_901 {strides = array<i32>} : memref<32x128xf32, #tpu.memory_space<vmem>>, vector<16xf32>,
      %add3A_921 = arith.constant 6 : i32
      %add3A_922 = arith.addi %mul3A_330, %add3A_921 : i32
      %swap3A_923 = arith.index_cast %add3A_922 : i32 to index
      %swap3A_924 = arith.constant 112 : index
      %swap3A_925 = tpu.vector_load %arg12[%swap3A_923, %swap3A_924] {strides = array<i32>} : memref<32x128xf32, #tpu.memory_space<vmem>>, vector<16xf32>,
      tpu.vector_store %arg12[%swap3A_923, %swap3A_924], %gather3A_905 {strides = array<i32>} : memref<32x128xf32, #tpu.memory_space<vmem>>, vector<16xf32>,
      %add3A_926 = arith.constant 7 : i32
      %add3A_927 = vector.broadcast %add3A_926 : i32 to vector<16xi32>
      %add3A_928 = arith.addi %get3A_652, %add3A_927 : vector<16xi32>
      %gather3A_929 = tpu.vector_load_idx %arg7[%add3A_928] : memref<24192xf32, #tpu.memory_space<vmem>>[vector<16xi32>], vector<16xf32>,
      %add3A_930 = arith.constant 7 : i32
      %add3A_931 = vector.broadcast %add3A_930 : i32 to vector<16xi32>
      %add3A_932 = arith.addi %get3A_659, %add3A_931 : vector<16xi32>
      %gather3A_933 = tpu.vector_load_idx %arg7[%add3A_932] : memref<24192xf32, #tpu.memory_space<vmem>>[vector<16xi32>], vector<16xf32>,
      %add3A_934 = arith.constant 7 : i32
      %add3A_935 = vector.broadcast %add3A_934 : i32 to vector<16xi32>
      %add3A_936 = arith.addi %get3A_666, %add3A_935 : vector<16xi32>
      %gather3A_937 = tpu.vector_load_idx %arg7[%add3A_936] : memref<24192xf32, #tpu.memory_space<vmem>>[vector<16xi32>], vector<16xf32>,
      %add3A_938 = arith.constant 7 : i32
      %add3A_939 = vector.broadcast %add3A_938 : i32 to vector<16xi32>
      %add3A_940 = arith.addi %get3A_673, %add3A_939 : vector<16xi32>
      %gather3A_941 = tpu.vector_load_idx %arg7[%add3A_940] : memref<24192xf32, #tpu.memory_space<vmem>>[vector<16xi32>], vector<16xf32>,
      %add3A_942 = arith.constant 7 : i32
      %add3A_943 = arith.addi %mul3A_330, %add3A_942 : i32
      %swap3A_944 = arith.index_cast %add3A_943 : i32 to index
      %swap3A_945 = arith.constant 64 : index
      %swap3A_946 = tpu.vector_load %arg12[%swap3A_944, %swap3A_945] {strides = array<i32>} : memref<32x128xf32, #tpu.memory_space<vmem>>, vector<16xf32>,
      tpu.vector_store %arg12[%swap3A_944, %swap3A_945], %gather3A_929 {strides = array<i32>} : memref<32x128xf32, #tpu.memory_space<vmem>>, vector<16xf32>,
      %add3A_947 = arith.constant 7 : i32
      %add3A_948 = arith.addi %mul3A_330, %add3A_947 : i32
      %swap3A_949 = arith.index_cast %add3A_948 : i32 to index
      %swap3A_950 = arith.constant 80 : index
      %swap3A_951 = tpu.vector_load %arg12[%swap3A_949, %swap3A_950] {strides = array<i32>} : memref<32x128xf32, #tpu.memory_space<vmem>>, vector<16xf32>,
      tpu.vector_store %arg12[%swap3A_949, %swap3A_950], %gather3A_933 {strides = array<i32>} : memref<32x128xf32, #tpu.memory_space<vmem>>, vector<16xf32>,
      %add3A_952 = arith.constant 7 : i32
      %add3A_953 = arith.addi %mul3A_330, %add3A_952 : i32
      %swap3A_954 = arith.index_cast %add3A_953 : i32 to index
      %swap3A_955 = arith.constant 96 : index
      %swap3A_956 = tpu.vector_load %arg12[%swap3A_954, %swap3A_955] {strides = array<i32>} : memref<32x128xf32, #tpu.memory_space<vmem>>, vector<16xf32>,
      tpu.vector_store %arg12[%swap3A_954, %swap3A_955], %gather3A_937 {strides = array<i32>} : memref<32x128xf32, #tpu.memory_space<vmem>>, vector<16xf32>,
      %add3A_957 = arith.constant 7 : i32
      %add3A_958 = arith.addi %mul3A_330, %add3A_957 : i32
      %swap3A_959 = arith.index_cast %add3A_958 : i32 to index
      %swap3A_960 = arith.constant 112 : index
      %swap3A_961 = tpu.vector_load %arg12[%swap3A_959, %swap3A_960] {strides = array<i32>} : memref<32x128xf32, #tpu.memory_space<vmem>>, vector<16xf32>,
      tpu.vector_store %arg12[%swap3A_959, %swap3A_960], %gather3A_941 {strides = array<i32>} : memref<32x128xf32, #tpu.memory_space<vmem>>, vector<16xf32>,
      %dma_start3A_962 = arith.constant 0 : i32
      %dma_start3A_963 = tpu.memref_slice %arg12[%mul3A_330, %dma_start3A_962] : memref<32x128xf32, #tpu.memory_space<vmem>> -> memref<8x128xf32, #tpu.memory_space<vmem>>
      %dma_start3A_964 = arith.constant 0 : i32
      %dma_start3A_965 = arith.constant 0 : i32
      %dma_start3A_966 = tpu.memref_slice %arg6[%select_n3A, %add3A_314, %dma_start3A_964, %dma_start3A_965] : memref<9x128x8x128xf32, #tpu.memory_space<hbm>> -> memref<1x1x8x128xf32, #tpu.memory_space<hbm>>
      %dma_start3A_967 = tpu.memref_squeeze %dma_start3A_966 : memref<1x1x8x128xf32, #tpu.memory_space<hbm>> -> memref<8x128xf32, #tpu.memory_space<hbm>>
      %dma_start3A_968 = arith.constant 0 : i32
      %dma_start3A_969 = arith.constant 0 : i32
      %dma_start3A_970 = tpu.memref_slice %arg6[%select_n3A, %add3A_314, %dma_start3A_968, %dma_start3A_969] : memref<9x128x8x128xf32, #tpu.memory_space<hbm>> -> memref<1x1x8x128xf32, #tpu.memory_space<hbm>>
      %dma_start3A_971 = tpu.memref_squeeze %dma_start3A_970 : memref<1x1x8x128xf32, #tpu.memory_space<hbm>> -> memref<8x128xf32, #tpu.memory_space<hbm>>
      %dma_start3A_972 = arith.constant 0 : i32
      %dma_start3A_973 = tpu.memref_slice %arg12[%mul3A_330, %dma_start3A_972] : memref<32x128xf32, #tpu.memory_space<vmem>> -> memref<8x128xf32, #tpu.memory_space<vmem>>
      tpu.enqueue_dma source(%dma_start3A_973 : memref<8x128xf32, #tpu.memory_space<vmem>>) target(%dma_start3A_971 : memref<8x128xf32, #tpu.memory_space<hbm>>) target_semaphore(%arg14 : memref<!tpu.dma_semaphore, #tpu.memory_space<semaphore_mem>>)
    }
    %scan3A_227 = arith.constant 36 : i32
    %dma_wait3A_228 = arith.constant 0 : i32
    %dma_wait3A_229 = arith.constant 0 : i32
    %dma_wait3A_230 = arith.constant 0 : i32
    %dma_wait3A_231 = arith.constant 0 : i32
    %dma_wait3A_232 = tpu.memref_slice %arg12[%dma_wait3A_230, %dma_wait3A_231] : memref<32x128xf32, #tpu.memory_space<vmem>> -> memref<8x128xf32, #tpu.memory_space<vmem>>
    %dma_wait3A_233 = arith.constant 0 : i32
    %dma_wait3A_234 = arith.constant 0 : i32
    %dma_wait3A_235 = tpu.memref_slice %arg6[%dma_wait3A_228, %dma_wait3A_229, %dma_wait3A_233, %dma_wait3A_234] : memref<9x128x8x128xf32, #tpu.memory_space<hbm>> -> memref<1x1x8x128xf32, #tpu.memory_space<hbm>>
    %dma_wait3A_236 = tpu.memref_squeeze %dma_wait3A_235 : memref<1x1x8x128xf32, #tpu.memory_space<hbm>> -> memref<8x128xf32, #tpu.memory_space<hbm>>
    %dma_wait3A_237 = arith.constant 0 : i32
    %dma_wait3A_238 = arith.constant 0 : i32
    %dma_wait3A_239 = tpu.memref_slice %arg6[%dma_wait3A_228, %dma_wait3A_229, %dma_wait3A_237, %dma_wait3A_238] : memref<9x128x8x128xf32, #tpu.memory_space<hbm>> -> memref<1x1x8x128xf32, #tpu.memory_space<hbm>>
    %dma_wait3A_240 = tpu.memref_squeeze %dma_wait3A_239 : memref<1x1x8x128xf32, #tpu.memory_space<hbm>> -> memref<8x128xf32, #tpu.memory_space<hbm>>
    %dma_wait3A_241 = arith.constant 0 : i32
    %dma_wait3A_242 = arith.constant 0 : i32
    %dma_wait3A_243 = tpu.memref_slice %arg12[%dma_wait3A_241, %dma_wait3A_242] : memref<32x128xf32, #tpu.memory_space<vmem>> -> memref<8x128xf32, #tpu.memory_space<vmem>>
    tpu.wait_dma2 semaphore(%arg14 : memref<!tpu.dma_semaphore, #tpu.memory_space<semaphore_mem>>) src(%dma_wait3A_243 : memref<8x128xf32, #tpu.memory_space<vmem>>) dst(%dma_wait3A_240 : memref<8x128xf32, #tpu.memory_space<hbm>>)
    %dma_wait3A_244 = arith.constant 0 : i32
    %dma_wait3A_245 = arith.constant 0 : i32
    %dma_wait3A_246 = arith.constant 0 : i32
    %dma_wait3A_247 = arith.constant 0 : i32
    %dma_wait3A_248 = tpu.memref_slice %arg12[%dma_wait3A_246, %dma_wait3A_247] : memref<32x128xf32, #tpu.memory_space<vmem>> -> memref<8x128xf32, #tpu.memory_space<vmem>>
    %dma_wait3A_249 = arith.constant 0 : i32
    %dma_wait3A_250 = arith.constant 0 : i32
    %dma_wait3A_251 = tpu.memref_slice %arg6[%dma_wait3A_244, %dma_wait3A_245, %dma_wait3A_249, %dma_wait3A_250] : memref<9x128x8x128xf32, #tpu.memory_space<hbm>> -> memref<1x1x8x128xf32, #tpu.memory_space<hbm>>
    %dma_wait3A_252 = tpu.memref_squeeze %dma_wait3A_251 : memref<1x1x8x128xf32, #tpu.memory_space<hbm>> -> memref<8x128xf32, #tpu.memory_space<hbm>>
    %dma_wait3A_253 = arith.constant 0 : i32
    %dma_wait3A_254 = arith.constant 0 : i32
    %dma_wait3A_255 = tpu.memref_slice %arg6[%dma_wait3A_244, %dma_wait3A_245, %dma_wait3A_253, %dma_wait3A_254] : memref<9x128x8x128xf32, #tpu.memory_space<hbm>> -> memref<1x1x8x128xf32, #tpu.memory_space<hbm>>
    %dma_wait3A_256 = tpu.memref_squeeze %dma_wait3A_255 : memref<1x1x8x128xf32, #tpu.memory_space<hbm>> -> memref<8x128xf32, #tpu.memory_space<hbm>>
    %dma_wait3A_257 = arith.constant 0 : i32
    %dma_wait3A_258 = arith.constant 0 : i32
    %dma_wait3A_259 = tpu.memref_slice %arg12[%dma_wait3A_257, %dma_wait3A_258] : memref<32x128xf32, #tpu.memory_space<vmem>> -> memref<8x128xf32, #tpu.memory_space<vmem>>
    tpu.wait_dma2 semaphore(%arg14 : memref<!tpu.dma_semaphore, #tpu.memory_space<semaphore_mem>>) src(%dma_wait3A_259 : memref<8x128xf32, #tpu.memory_space<vmem>>) dst(%dma_wait3A_256 : memref<8x128xf32, #tpu.memory_space<hbm>>)
    %dma_wait3A_260 = arith.constant 0 : i32
    %dma_wait3A_261 = arith.constant 0 : i32
    %dma_wait3A_262 = arith.constant 0 : i32
    %dma_wait3A_263 = arith.constant 0 : i32
    %dma_wait3A_264 = tpu.memref_slice %arg12[%dma_wait3A_262, %dma_wait3A_263] : memref<32x128xf32, #tpu.memory_space<vmem>> -> memref<8x128xf32, #tpu.memory_space<vmem>>
    %dma_wait3A_265 = arith.constant 0 : i32
    %dma_wait3A_266 = arith.constant 0 : i32
    %dma_wait3A_267 = tpu.memref_slice %arg6[%dma_wait3A_260, %dma_wait3A_261, %dma_wait3A_265, %dma_wait3A_266] : memref<9x128x8x128xf32, #tpu.memory_space<hbm>> -> memref<1x1x8x128xf32, #tpu.memory_space<hbm>>
    %dma_wait3A_268 = tpu.memref_squeeze %dma_wait3A_267 : memref<1x1x8x128xf32, #tpu.memory_space<hbm>> -> memref<8x128xf32, #tpu.memory_space<hbm>>
    %dma_wait3A_269 = arith.constant 0 : i32
    %dma_wait3A_270 = arith.constant 0 : i32
    %dma_wait3A_271 = tpu.memref_slice %arg6[%dma_wait3A_260, %dma_wait3A_261, %dma_wait3A_269, %dma_wait3A_270] : memref<9x128x8x128xf32, #tpu.memory_space<hbm>> -> memref<1x1x8x128xf32, #tpu.memory_space<hbm>>
    %dma_wait3A_272 = tpu.memref_squeeze %dma_wait3A_271 : memref<1x1x8x128xf32, #tpu.memory_space<hbm>> -> memref<8x128xf32, #tpu.memory_space<hbm>>
    %dma_wait3A_273 = arith.constant 0 : i32
    %dma_wait3A_274 = arith.constant 0 : i32
    %dma_wait3A_275 = tpu.memref_slice %arg12[%dma_wait3A_273, %dma_wait3A_274] : memref<32x128xf32, #tpu.memory_space<vmem>> -> memref<8x128xf32, #tpu.memory_space<vmem>>
    tpu.wait_dma2 semaphore(%arg14 : memref<!tpu.dma_semaphore, #tpu.memory_space<semaphore_mem>>) src(%dma_wait3A_275 : memref<8x128xf32, #tpu.memory_space<vmem>>) dst(%dma_wait3A_272 : memref<8x128xf32, #tpu.memory_space<hbm>>)
    %dma_wait3A_276 = arith.constant 0 : i32
    %dma_wait3A_277 = arith.constant 0 : i32
    %dma_wait3A_278 = arith.constant 0 : i32
    %dma_wait3A_279 = arith.constant 0 : i32
    %dma_wait3A_280 = tpu.memref_slice %arg12[%dma_wait3A_278, %dma_wait3A_279] : memref<32x128xf32, #tpu.memory_space<vmem>> -> memref<8x128xf32, #tpu.memory_space<vmem>>
    %dma_wait3A_281 = arith.constant 0 : i32
    %dma_wait3A_282 = arith.constant 0 : i32
    %dma_wait3A_283 = tpu.memref_slice %arg6[%dma_wait3A_276, %dma_wait3A_277, %dma_wait3A_281, %dma_wait3A_282] : memref<9x128x8x128xf32, #tpu.memory_space<hbm>> -> memref<1x1x8x128xf32, #tpu.memory_space<hbm>>
    %dma_wait3A_284 = tpu.memref_squeeze %dma_wait3A_283 : memref<1x1x8x128xf32, #tpu.memory_space<hbm>> -> memref<8x128xf32, #tpu.memory_space<hbm>>
    %dma_wait3A_285 = arith.constant 0 : i32
    %dma_wait3A_286 = arith.constant 0 : i32
    %dma_wait3A_287 = tpu.memref_slice %arg6[%dma_wait3A_276, %dma_wait3A_277, %dma_wait3A_285, %dma_wait3A_286] : memref<9x128x8x128xf32, #tpu.memory_space<hbm>> -> memref<1x1x8x128xf32, #tpu.memory_space<hbm>>
    %dma_wait3A_288 = tpu.memref_squeeze %dma_wait3A_287 : memref<1x1x8x128xf32, #tpu.memory_space<hbm>> -> memref<8x128xf32, #tpu.memory_space<hbm>>
    %dma_wait3A_289 = arith.constant 0 : i32
    %dma_wait3A_290 = arith.constant 0 : i32
    %dma_wait3A_291 = tpu.memref_slice %arg12[%dma_wait3A_289, %dma_wait3A_290] : memref<32x128xf32, #tpu.memory_space<vmem>> -> memref<8x128xf32, #tpu.memory_space<vmem>>
    tpu.wait_dma2 semaphore(%arg14 : memref<!tpu.dma_semaphore, #tpu.memory_space<semaphore_mem>>) src(%dma_wait3A_291 : memref<8x128xf32, #tpu.memory_space<vmem>>) dst(%dma_wait3A_288 : memref<8x128xf32, #tpu.memory_space<hbm>>)
    return
  }
}

</mosaic_0001>

<sc_bundles>
// kernel: kernel.3.cloned.1.call-start
scs
__scs_entry_jumppad:
0x0: {  	(pc) =	sbr.rel $0x88, $3  }
0x1: {  	(tag) =	ssettag $0x0;
	lr =	simm.s32 $0x1  }
0x2: {  	[smem:$0x3F97] =	sst lr;
	_ =	strace $0xD0000000  }
0x3: {  	_ = 	snop  }
0x4: {  	_ = 	snop  }
0x5: {  	_ = 	snop  }
0x6: {  	_ = 	snop  }
0x7: {  	_ = 	snop  }
__scs_overlays_trampoline_lowered:
0x8: {  	[smem:$0x3FA6] =	sst s0  }
0x9: {  	[smem:$0x3FA7] =	sst s1  }
0xa: {  	[smem:$0x3FA8] =	sst s2  }
0xb: {  	[smem:$0x3FA9] =	sst s3  }
0xc: {  	[smem:$0x3FAA] =	sst s4  }
0xd: {  	[smem:$0x3FAB] =	sst s5  }
0xe: {  	[smem:$0x3FAC] =	sst s6  }
0xf: {  	[smem:$0x3FAD] =	sst s7  }
0x10: {  	[smem:$0x3FAE] =	sst s8  }
0x11: {  	[smem:$0x3FAF] =	sst s9;
	s0 =	simm.s32 @!p0 $0x0  }
0x12: {  	s1 =	sld [smem:$0x3F95];
	s0 =	simm.s32 @p0 $0x1  }
0x13: {  	[smem:$0x3FB0] =	sst s0;
	s0 =	simm.s32 @!p1 $0x0  }
0x14: {  	s2 =	sld [smem:$0x3F94];
	s0 =	simm.s32 @p1 $0x1  }
0x15: {  	[smem:$0x3FB1] =	sst s0;
	s0 =	simm.s32 @!p2 $0x0  }
0x16: {  	s3 =	sld [smem:$0x3FDB];
	s0 =	simm.s32 @p2 $0x1  }
0x17: {  	s4 =	simm.s32 $0x1BF5;
	[smem:$0x3FB3] =	sst s0  }
0x18: {  	s0 =	sld [smem:$0x3F96];
	_ =	swait.ge [sflag:s4], $0x0  }
0x19: {  	s7 =	sld [smem:$0x3F97]  }
0x1a: {  	s8 =	sadd.s32 $0xFFFFE003, lr  }
0x1b: {  	s9 =	sadd.s32 $0xFFFFFEF7, lr;
	s5 =	simm.s32 $0xFFFFFFFF;
	p2 =	slt.u32 s8, $0xFFFFF086  }
0x1c: {  	p1 =	slt.u32 s9, $0xF7A;
	s5 =	simm.s32 @!p2 $0x0  }
0x1d: {  	s5 =	simm.s32 @p1 $0x1;
	p0 =	seq.s32 s7, s2  }
0x1e: {  	s7 =	smul.u32 @!p0 $0xF7A, s2;
	p2 =	seq.s32 @!p0 s5, $0x0  }
0x1f: {  	s9 =	smul.u32 $0xF7A, s1;
	s8 =	simm.s32 @!p0 $0x1BF5;
	p2 =	por !p2, p0  }
0x20: {  	[sflag:s8] =	ssyncset.s32 @!p0 $0xFFFFF086;
	s6 =	sadd.s32 @!p0 s3, s7;
	s7 =	simm.s32 @!p0 $0x108  }
0x21: {  	s3 =	sadd.s32 s3, s9;
	s6 =	sadd.s32 @!p0 $0x88, s6;
	s7 =	simm.s32 @p2 $0x1082  }
0x22: {  	[simem:s7], [sflag:s8] =	dma.local @!p0 [hbm:s6], $0xF7A  }
0x23: {  	s9 =	sor.u32 $0xD0000000, s2;
	s6 =	simm.s32 $0x108;
	_ =	swait.ge @!p0 [sflag:s8], $0x0  }
0x24: {  	s3 =	sadd.s32 $0x88, s3;
	s6 =	simm.s32 @!p1 $0x1082;
	[sflag:s4] =	ssyncset.s32 $0xFFFFF086  }
0x25: {  	[simem:s6], [sflag:s4] =	dma.local [hbm:s3], $0xF7A  }
0x26: {  	[smem:$0x3F97] =	sst s1;
	(tag) =	ssettag s2;
	_ =	strace s9  }
0x27: {  	s1 =	sld [smem:$0x3FA7]  }
0x28: {  	s2 =	sld [smem:$0x3FA8]  }
0x29: {  	s4 =	sld [smem:$0x3FAA]  }
0x2a: {  	p0 =	seq.s32 s5, $0x0;
	s5 =	sld [smem:$0x3FAB]  }
0x2b: {  	s6 =	sld [smem:$0x3FAC]  }
0x2c: {  	s7 =	sld [smem:$0x3FAD]  }
0x2d: {  	s3 =	simm.s32 $0x108;
	s8 =	sld [smem:$0x3FAE]  }
0x2e: {  	s3 =	simm.s32 @!p0 $0x1082;
	s9 =	sld [smem:$0x3FAF]  }
0x2f: {  	lr =	sadd.s32 s0, s3;
	s0 =	sld [smem:$0x3FA6]  }
0x30: {  	s3 =	sld [smem:$0x3FA9]  }
0x31: {  	[smem:$0x3FB2] =	sst s10  }
0x32: {  	s10 =	sld [smem:$0x3FB0];
	_ =	sdelay $0x3  }
0x33: {  	p0 =	seq.s32 s10, $0x1;
	s10 =	sld [smem:$0x3FB2];
	_ =	sdelay $0x3  }
0x34: {  	[smem:$0x3FB2] =	sst s10  }
0x35: {  	s10 =	sld [smem:$0x3FB1];
	_ =	sdelay $0x3  }
0x36: {  	p1 =	seq.s32 s10, $0x1;
	s10 =	sld [smem:$0x3FB2];
	_ =	sdelay $0x3  }
0x37: {  	[smem:$0x3FB2] =	sst s10  }
0x38: {  	s10 =	sld [smem:$0x3FB3]  }
0x39: {  	_ = 	snop;
	(pc) =	sbr.ind lr, $3  }
0x3a: {  	_ = 	snop  }
0x3b: {  	_ = 	snop  }
0x3c: {  	p2 =	seq.s32 s10, $0x1;
	s10 =	sld [smem:$0x3FB2]  }
0x3d: {  	_ =	shalt  }
0x3e: {  	_ =	shalt  }
0x3f: {  	_ =	shalt  }
0x40: {  	_ =	shalt  }
0x41: {  	_ =	shalt  }
0x42: {  	_ =	shalt  }
0x43: {  	_ =	shalt  }
0x44: {  	_ =	shalt  }
0x45: {  	_ =	shalt  }
0x46: {  	_ =	shalt  }
0x47: {  	_ =	shalt  }
0x48: {  	_ =	shalt  }
0x49: {  	_ =	shalt  }
0x4a: {  	_ =	shalt  }
0x4b: {  	_ =	shalt  }
0x4c: {  	_ =	shalt  }
0x4d: {  	_ =	shalt  }
0x4e: {  	_ =	shalt  }
0x4f: {  	_ =	shalt  }
0x50: {  	_ =	shalt  }
0x51: {  	_ =	shalt  }
0x52: {  	_ =	shalt  }
0x53: {  	_ =	shalt  }
0x54: {  	_ =	shalt  }
0x55: {  	_ =	shalt  }
0x56: {  	_ =	shalt  }
0x57: {  	_ =	shalt  }
0x58: {  	_ =	shalt  }
0x59: {  	_ =	shalt  }
0x5a: {  	_ =	shalt  }
0x5b: {  	_ =	shalt  }
0x5c: {  	_ =	shalt  }
0x5d: {  	_ =	shalt  }
0x5e: {  	_ =	shalt  }
0x5f: {  	_ =	shalt  }
0x60: {  	_ =	shalt  }
0x61: {  	_ =	shalt  }
0x62: {  	_ =	shalt  }
0x63: {  	_ =	shalt  }
0x64: {  	_ =	shalt  }
0x65: {  	_ =	shalt  }
0x66: {  	_ =	shalt  }
0x67: {  	_ =	shalt  }
0x68: {  	_ =	shalt  }
0x69: {  	_ =	shalt  }
0x6a: {  	_ =	shalt  }
0x6b: {  	_ =	shalt  }
0x6c: {  	_ =	shalt  }
0x6d: {  	_ =	shalt  }
0x6e: {  	_ =	shalt  }
0x6f: {  	_ =	shalt  }
0x70: {  	_ =	shalt  }
0x71: {  	_ =	shalt  }
0x72: {  	_ =	shalt  }
0x73: {  	_ =	shalt  }
0x74: {  	_ =	shalt  }
0x75: {  	_ =	shalt  }
0x76: {  	_ =	shalt  }
0x77: {  	_ =	shalt  }
0x78: {  	_ =	shalt  }
0x79: {  	_ =	shalt  }
0x7a: {  	_ =	shalt  }
0x7b: {  	_ =	shalt  }
0x7c: {  	_ =	shalt  }
0x7d: {  	_ =	shalt  }
0x7e: {  	_ =	shalt  }
0x7f: {  	_ =	shalt  }
0x80: {  	_ =	shalt  }
0x81: {  	_ =	shalt  }
0x82: {  	_ =	shalt  }
0x83: {  	_ =	shalt  }
0x84: {  	_ =	shalt  }
0x85: {  	_ =	shalt  }
0x86: {  	_ =	shalt  }
0x87: {  	_ =	shalt  }
.Lfunc_end0:
.L_simem_size_0:
called_computation_lowered:
.L_overlay_start_0:
0x88: {  	s2 =	sld [smem:$0x3FD9]  }
0x89: {  	s3 =	sld [smem:$0x3FFE];
	_ =	sdelay $0x1  }
0x8a: {  	s1 =	srdreg.scid  }
0x8b: {  	s0 =	sand.u32 $0x1, s1  }
0x8c: {  	s17 =	sshll.u32 s0, $0xA;
	s2 =	sadd.s32 s3, s2  }
0x8d: {  	s2 =	sadd.s32 s2, s17  }
0x8e: {  	[smem:$0x3FBE] =	sst s2  }
0x8f: {  	_ = 	snop  }
0x90: {  	s2 =	sld [smem:$0x3FD0];
	(tm) =	ssettm $0x1  }
0x91: {  	s18 =	sld [smem:$0x3FFB];
	_ =	sdelay $0x3  }
0x92: {  	_ =	strace s18  }
0x93: {  	s3 =	sld [smem:$0x3FFC];
	_ =	sdelay $0x3  }
0x94: {  	_ =	strace s3  }
0x95: {  	s3 =	sld [smem:$0x3FFD];
	_ =	sdelay $0x3  }
0x96: {  	_ =	strace s3  }
0x97: {  	_ =	strace $0x8FFFFFFF  }
0x98: {  	s19 =	sld [smem:$0x3FDB];
	_ =	sdelay $0x1  }
0x99: {  	s4 =	simm.s32 $_scs_section_size  }
0x9a: {  	s5 =	simm.s32 $_size__tile_overlayer_lowered;
	s6 =	simm.s32 $_tile_overlayer_lowered  }
0x9b: {  	s22 =	simm.s32 $0x1BFF;
	s21 =	sshll.u32 s6, $0x1;
	s3 =	sadd.s32 s4, s19  }
0x9c: {  	s7 =	simm.s32 $0x0;
	s20 =	sshll.u32 s5, $0x1;
	s5 =	sadd.s32 s21, s3  }
0x9d: {  	[timem:s7], [sflag:s22] =	dma.local [hbm:s5], s20  }
0x9e: {  	_ =	swait.ge [sflag:s22], s20  }
0x9f: {  	s4 =	ssub.s32 $0x0, s20;
	[sflag:s22] =	ssyncset.done $0x0  }
0xa0: {  	[sflag:s22] =	ssyncadd.s32 s4;
	_ =	sdelay $0x1  }
0xa1: {  	s23 =	simm.s32 $0x1B8B  }
0xa2: {  	_ =	swait.ge [sflag:s23], $0x1  }
0xa3: {  	[sflag:s23] =	ssyncset.done $0x0  }
0xa4: {  	s25 =	simm.s32 $0x1B8E;
	s24 =	sld [smem:$0x3FFE];
	[sflag:s23] =	ssyncadd.s32 $0xFFFFFFFF  }
0xa5: {  	s26 =	simm.s32 $execute0_lowered;
	[smem:$0x3FD2] =	sst s25  }
0xa6: {  	s5 =	sshll.u32 s26, $0x1;
	_ =	strace $0x80000046;
	[dreg:$0x1] =	wrdreg $0xFFFFFFFF  }
0xa7: {  	s28 =	simm.s32 $_size_execute0_lowered;
	s3 =	sadd.s32 s3, s5;
	[dreg:$0x0] =	wrdreg $0x0  }
0xa8: {  	s5 =	sshll.u32 s28, $0x1;
	[dreg:$0x2] =	wrdreg s3  }
0xa9: {  	[dreg:$0x3] =	wrdreg s5  }
0xaa: {  	[dreg:$0x4] =	wrdreg $0xC0  }
0xab: {  	_ =	task [dreg:s7], $0x5FFFF  }
0xac: {  	[dreg:$0x1] =	wrdreg $0xFFFFFFFF  }
0xad: {  	[dreg:$0x0] =	wrdreg $0x60  }
0xae: {  	[dreg:$0x2] =	wrdreg s24  }
0xaf: {  	[dreg:$0x3] =	wrdreg s2  }
0xb0: {  	[dreg:$0x4] =	wrdreg $0x9  }
0xb1: {  	_ =	task.clear_ibuf [dreg:s7], $0x5FFFF;
	_ =	strace $0x90000046  }
0xb2: {  	s29 =	simm.s32 $0x9;
	_ =	strace $0x80000048  }
0xb3: {  	_ =	swait.ge [sflag:s29], $0x1  }
0xb4: {  	[sflag:s29] =	ssyncadd.s32 $0xFFFFFFFF  }
0xb5: {  	_ =	strace $0x90000048  }
0xb6: {  	_ =	sfence  }
0xb7: {  	s30 =	sld [smem:$0x0];
	_ =	sdelay $0x2  }
0xb8: {  	s31 =	sshll.u32 s1, $0xD;
	s1 =	sshrl.u32 s1, $0x2  }
0xb9: {  	s3 =	sand.u32 $0x4000, s31;
	s1 =	sadd.s32 s1, s30  }
0xba: {  	s0 =	sor.u32 s3, s0;
	s1 =	sshll.u32 s1, $0x11  }
0xbb: {  	s0 =	sor.u32 s1, s0  }
0xbc: {  	s0 =	sadd.s32 $0x8F2B, s0  }
0xbd: {  	[sflag:s0] =	ssyncadd.remote.s32 $0x1  }
0xbe: {  	_ =	sfence.sel $0xFFFF  }
0xbf: {  	[dreg:$0x0] =	wrdreg $0xFFFFFFFF;
	(pc) =	sbr.abs _section_cstart, $3  }
0xc0: {  	[dreg:$0x1] =	wrdreg $0xFFFFFFFF  }
0xc1: {  	_ =	task.clear_ibuf [dreg:s7], $0x2FFFF;
	_ =	strace $0x9FFFFFFF  }
0xc2: {  	(tm) =	ssettm $0x7FFFFFFF  }
0xc3: {  	_ =	shalt  }
tec
execute0_lowered:
.L_overlay_start_1:
0x0: {  	(tag) =	ssettag $0x1  }
0x1: {  	s0 =	rddreg [dreg:$0x0]  }
0x2: {  	s2 =	rddreg [dreg:$0x1]  }
0x3: {  	s1 =	srdreg.scid;
	s16 =	stileid.u32  }
0x4: {  	s3 =	simm.s32 $0x0;
	s18 =	simm.s32 $0x7080;
	s19 =	simm.s32 $0x7090  }
0x5: {  	s28 =	simm.s32 $0x6C80;
	s29 =	simm.s32 $0x6E80;
	s30 =	simm.s32 $0x1  }
0x6: {  	s31 =	simm.s32 $0x3;
	s1 =	sand.u32 $0x1, s1;
	s4 =	sshll.u32 s16, $0x7  }
0x7: {  	[smem:$0x7FF] =	sst s3;
	s6 =	sadd.s32 $0x6E00, s0;
	s17 =	sshll.u32 s16, $0xD  }
0x8: {  	s5 =	sshll.u32 s1, $0x6;
	_ =	strace $0x80000047;
	s7 =	ssub.s32 $0x2, s1  }
0x9: {  	s1 =	sshll.u32 s1, $0xC;
	s4 =	sor.u32 s5, s4;
	s5 =	sadd.s32 $0x7000, s0  }
0xa: {  	s8 =	sshrl.u32 s7, $0x1;
	s17 =	sor.u32 s1, s17;
	s1 =	simm.s32 $0x0  }
0xb: {  	s15 =	sadd.s32 s4, s0;
	s4 =	sadd.s32 $0x6200, s0;
	s26 =	ssub.s32 s7, s8  }
0xc: {  	s0 =	simm.s32 $0x2;
	s7 =	sadd.s32 $0x1A00, s15;
	s8 =	sadd.s32 $0x2200, s15  }
0xd: {  	s9 =	sadd.s32 $0x2A00, s15;
	s10 =	sadd.s32 $0x3200, s15;
	s11 =	sadd.s32 $0x3A00, s15  }
0xe: {  	s12 =	sadd.s32 $0x4200, s15;
	s13 =	sadd.s32 $0x4A00, s15;
	s14 =	sadd.s32 $0x5200, s15  }
0xf: {  	s15 =	sadd.s32 $0x5A00, s15;
	s16 =	smax.u32 s26, $0x1;
	s26 =	simm.s32 $0x6A80  }
.LBB2_1:
0x10: {  	[tilespmem:s3], [sflag:$0x3] =	stream.linear.gather [hbm4b:s4+s3], $0x5E80, $0x38;
	[tilespmem:$0x92A0] =	vst v63  }
0x11: {  	_ = 	snop  }
0x12: {  	[tilespmem:s18], [sflag:$0x1] =	stream.linear.gather [hbm4b:s5+s3], $0x10, $0x38;
	[tilespmem:$0x92A0] =	vst v63  }
0x13: {  	_ = 	snop  }
0x14: {  	[tilespmem:s19], [sflag:$0x1] =	stream.linear.gather [hbm4b:s6+s3], $0x10, $0x38;
	[tilespmem:$0x92A0] =	vst v63  }
0x15: {  	s20 =	simm.s32 $0x5E80  }
0x16: {  	[tilespmem:s20], [sflag:$0x1] =	stream.linear.gather [hbm4b:s7+s3], $0x200, $0x38;
	[tilespmem:$0x92A0] =	vst v63  }
0x17: {  	s25 =	simm.s32 $0x6080  }
0x18: {  	[tilespmem:s25], [sflag:$0x1] =	stream.linear.gather [hbm4b:s8+s3], $0x200, $0x38;
	[tilespmem:$0x92A0] =	vst v63  }
0x19: {  	s21 =	simm.s32 $0x6280  }
0x1a: {  	[tilespmem:s21], [sflag:$0x1] =	stream.linear.gather [hbm4b:s9+s3], $0x200, $0x38;
	[tilespmem:$0x92A0] =	vst v63  }
0x1b: {  	s22 =	simm.s32 $0x6480  }
0x1c: {  	[tilespmem:s22], [sflag:$0x1] =	stream.linear.gather [hbm4b:s10+s3], $0x200, $0x38;
	[tilespmem:$0x92A0] =	vst v63  }
0x1d: {  	s23 =	simm.s32 $0x6680  }
0x1e: {  	[tilespmem:s23], [sflag:$0x1] =	stream.linear.gather [hbm4b:s11+s3], $0x200, $0x38;
	[tilespmem:$0x92A0] =	vst v63  }
0x1f: {  	s24 =	simm.s32 $0x6880  }
0x20: {  	[tilespmem:s24], [sflag:$0x1] =	stream.linear.gather [hbm4b:s12+s3], $0x200, $0x38;
	[tilespmem:$0x92A0] =	vst v63  }
0x21: {  	_ = 	snop  }
0x22: {  	[tilespmem:s26], [sflag:$0x1] =	stream.linear.gather [hbm4b:s13+s3], $0x200, $0x38;
	[tilespmem:$0x92A0] =	vst v63  }
0x23: {  	_ = 	snop  }
0x24: {  	[tilespmem:s28], [sflag:$0x1] =	stream.linear.gather [hbm4b:s14+s3], $0x200, $0x38;
	[tilespmem:$0x92A0] =	vst v63  }
0x25: {  	_ = 	snop  }
0x26: {  	[tilespmem:s29], [sflag:$0x1] =	stream.linear.gather [hbm4b:s15+s3], $0x200, $0x38;
	[tilespmem:$0x92A0] =	vst v63  }
0x27: {  	_ =	swait.ge [sflag:s30], $0x10  }
0x28: {  	[sflag:s30] =	ssyncset.done $0x0  }
0x29: {  	[sflag:s30] =	ssyncadd.s32 $0xFFFFFFF0  }
0x2a: {  	_ =	swait.ge [sflag:s30], $0x10  }
0x2b: {  	[sflag:s30] =	ssyncset.done $0x0  }
0x2c: {  	[sflag:s30] =	ssyncadd.s32 $0xFFFFFFF0  }
0x2d: {  	_ =	swait.ge [sflag:s30], $0x200  }
0x2e: {  	[sflag:s30] =	ssyncset.done $0x0  }
0x2f: {  	[sflag:s30] =	ssyncadd.s32 $0xFFFFFE00  }
0x30: {  	_ =	swait.ge [sflag:s30], $0x200  }
0x31: {  	[sflag:s30] =	ssyncset.done $0x0  }
0x32: {  	[sflag:s30] =	ssyncadd.s32 $0xFFFFFE00  }
0x33: {  	_ =	swait.ge [sflag:s30], $0x200  }
0x34: {  	[sflag:s30] =	ssyncset.done $0x0  }
0x35: {  	[sflag:s30] =	ssyncadd.s32 $0xFFFFFE00  }
0x36: {  	_ =	swait.ge [sflag:s30], $0x200  }
0x37: {  	[sflag:s30] =	ssyncset.done $0x0  }
0x38: {  	[sflag:s30] =	ssyncadd.s32 $0xFFFFFE00  }
0x39: {  	_ =	swait.ge [sflag:s30], $0x200  }
0x3a: {  	[sflag:s30] =	ssyncset.done $0x0  }
0x3b: {  	[sflag:s30] =	ssyncadd.s32 $0xFFFFFE00  }
0x3c: {  	_ =	swait.ge [sflag:s30], $0x200  }
0x3d: {  	[sflag:s30] =	ssyncset.done $0x0  }
0x3e: {  	[sflag:s30] =	ssyncadd.s32 $0xFFFFFE00  }
0x3f: {  	_ =	swait.ge [sflag:s30], $0x200  }
0x40: {  	[sflag:s30] =	ssyncset.done $0x0  }
0x41: {  	[sflag:s30] =	ssyncadd.s32 $0xFFFFFE00  }
0x42: {  	s25 =	simm.s32 $0x0;
	_ =	swait.ge [sflag:s30], $0x200  }
0x43: {  	v0 =	vmov s25;
	[sflag:s30] =	ssyncset.done $0x0  }
0x44: {  	[sflag:s30] =	ssyncadd.s32 $0xFFFFFE00  }
0x45: {  	_ =	swait.ge [sflag:s30], $0x200  }
0x46: {  	[sflag:s30] =	ssyncset.done $0x0  }
0x47: {  	[sflag:s30] =	ssyncadd.s32 $0xFFFFFE00  }
0x48: {  	s20 =	simm.s32 $0x5EC0;
	v2 =	vld.idx.msk [tilespmem:v0+s18+$0x0], $0xffff  }
0x49: {  	v1 =	vld [tilespmem:s20+$0xFFFFFFC0]  }
0x4a: {  	v0 =	vld.idx.msk [tilespmem:v0+s19+$0x0], $0xffff;
	_ =	sdelay $0x3  }
0x4b: {  	v1 =	vand.u32 v2, v1  }
0x4c: {  	v1 =	vadd.s32 v0, v1  }
0x4d: {  	v1 =	vmul.u32 $0x9, v1  }
0x4e: {  	s21 =	simm.s32 $0x70E0  }
0x4f: {  	[tilespmem:s21+$0xFFFFFFC0] =	vst v1  }
0x50: {  	v1 =	vld [tilespmem:s20+$0xFFFFFFD0];
	_ =	sdelay $0x4  }
0x51: {  	v1 =	vand.u32 v2, v1  }
0x52: {  	v1 =	vadd.s32 v0, v1  }
0x53: {  	v1 =	vmul.u32 $0x9, v1;
	_ =	sdelay $0x1  }
0x54: {  	[tilespmem:s21+$0xFFFFFFD0] =	vst v1  }
0x55: {  	v1 =	vld [tilespmem:s20+$0xFFFFFFE0];
	_ =	sdelay $0x4  }
0x56: {  	v1 =	vand.u32 v2, v1  }
0x57: {  	v1 =	vadd.s32 v0, v1  }
0x58: {  	v1 =	vmul.u32 $0x9, v1;
	_ =	sdelay $0x1  }
0x59: {  	[tilespmem:s21+$0xFFFFFFE0] =	vst v1  }
0x5a: {  	v1 =	vld [tilespmem:s20+$0xFFFFFFF0];
	_ =	sdelay $0x4  }
0x5b: {  	v1 =	vand.u32 v2, v1  }
0x5c: {  	v1 =	vadd.s32 v0, v1  }
0x5d: {  	v1 =	vmul.u32 $0x9, v1;
	_ =	sdelay $0x1  }
0x5e: {  	[tilespmem:s21+$0xFFFFFFF0] =	vst v1  }
0x5f: {  	v1 =	vld [tilespmem:s20+$0x0];
	_ =	sdelay $0x4  }
0x60: {  	v1 =	vand.u32 v2, v1  }
0x61: {  	v1 =	vadd.s32 v0, v1  }
0x62: {  	v1 =	vmul.u32 $0x9, v1;
	_ =	sdelay $0x1  }
0x63: {  	[tilespmem:s21+$0x0] =	vst v1  }
0x64: {  	v1 =	vld [tilespmem:s20+$0x10];
	_ =	sdelay $0x4  }
0x65: {  	v1 =	vand.u32 v2, v1  }
0x66: {  	v1 =	vadd.s32 v0, v1  }
0x67: {  	v1 =	vmul.u32 $0x9, v1;
	_ =	sdelay $0x1  }
0x68: {  	[tilespmem:s21+$0x10] =	vst v1  }
0x69: {  	v1 =	vld [tilespmem:s20+$0x20];
	_ =	sdelay $0x4  }
0x6a: {  	v1 =	vand.u32 v2, v1  }
0x6b: {  	v1 =	vadd.s32 v0, v1  }
0x6c: {  	v1 =	vmul.u32 $0x9, v1;
	_ =	sdelay $0x1  }
0x6d: {  	[tilespmem:s21+$0x20] =	vst v1  }
0x6e: {  	v3 =	vld [tilespmem:s20+$0x30];
	_ =	sdelay $0x3  }
0x6f: {  	s22 =	simm.s32 $0x0  }
0x70: {  	v1 =	vmov s22;
	s22 =	simm.s32 $0x2;
	v2 =	vand.u32 v2, v3  }
.LBB2_2:
0x71: {  	p0 =	sne.s32 s22, $0x23;
	v0 =	vadd.s32 v0, v2  }
0x72: {  	v0 =	vmul.u32 $0x9, v0;
	_ =	sdelay $0x1  }
0x73: {  	[tilespmem:s21+$0x30] =	vst v0  }
0x74: {  	s20 =	sadd.s32 $0x80, s20;
	v2 =	vld.idx.msk [tilespmem:v1+s18+$0x0], $0xffff  }
0x75: {  	v3 =	vld [tilespmem:s20+$0xFFFFFFC0]  }
0x76: {  	v0 =	vld.idx.msk [tilespmem:v1+s19+$0x0], $0xffff;
	_ =	sdelay $0x4  }
0x77: {  	v1 =	vand.u32 v2, v3  }
0x78: {  	v1 =	vadd.s32 v0, v1  }
0x79: {  	v1 =	vmul.u32 $0x9, v1  }
0x7a: {  	s21 =	sadd.s32 $0x80, s21  }
0x7b: {  	[tilespmem:s21+$0xFFFFFFC0] =	vst v1  }
0x7c: {  	v1 =	vld [tilespmem:s20+$0xFFFFFFD0];
	_ =	sdelay $0x4  }
0x7d: {  	v1 =	vand.u32 v2, v1  }
0x7e: {  	v1 =	vadd.s32 v0, v1  }
0x7f: {  	v1 =	vmul.u32 $0x9, v1;
	_ =	sdelay $0x1  }
0x80: {  	[tilespmem:s21+$0xFFFFFFD0] =	vst v1  }
0x81: {  	v1 =	vld [tilespmem:s20+$0xFFFFFFE0];
	_ =	sdelay $0x4  }
0x82: {  	v1 =	vand.u32 v2, v1  }
0x83: {  	v1 =	vadd.s32 v0, v1  }
0x84: {  	v1 =	vmul.u32 $0x9, v1;
	_ =	sdelay $0x1  }
0x85: {  	[tilespmem:s21+$0xFFFFFFE0] =	vst v1  }
0x86: {  	v1 =	vld [tilespmem:s20+$0xFFFFFFF0];
	_ =	sdelay $0x4  }
0x87: {  	v1 =	vand.u32 v2, v1  }
0x88: {  	v1 =	vadd.s32 v0, v1  }
0x89: {  	v1 =	vmul.u32 $0x9, v1;
	_ =	sdelay $0x1  }
0x8a: {  	[tilespmem:s21+$0xFFFFFFF0] =	vst v1  }
0x8b: {  	v1 =	vld [tilespmem:s20+$0x0];
	_ =	sdelay $0x4  }
0x8c: {  	v1 =	vand.u32 v2, v1  }
0x8d: {  	v1 =	vadd.s32 v0, v1  }
0x8e: {  	v1 =	vmul.u32 $0x9, v1;
	_ =	sdelay $0x1  }
0x8f: {  	[tilespmem:s21+$0x0] =	vst v1  }
0x90: {  	v1 =	vld [tilespmem:s20+$0x10];
	_ =	sdelay $0x4  }
0x91: {  	v1 =	vand.u32 v2, v1  }
0x92: {  	v1 =	vadd.s32 v0, v1  }
0x93: {  	v1 =	vmul.u32 $0x9, v1;
	_ =	sdelay $0x1  }
0x94: {  	[tilespmem:s21+$0x10] =	vst v1  }
0x95: {  	v1 =	vld [tilespmem:s20+$0x20];
	_ =	sdelay $0x4  }
0x96: {  	v1 =	vand.u32 v2, v1  }
0x97: {  	v1 =	vadd.s32 v0, v1  }
0x98: {  	v1 =	vmul.u32 $0x9, v1;
	_ =	sdelay $0x1  }
0x99: {  	[tilespmem:s21+$0x20] =	vst v1  }
0x9a: {  	v3 =	vld [tilespmem:s20+$0x30]  }
.Ltmp0:
0x9b: {  	(pc) =	sbr.rel @p0 .LBB2_2-.Ltmp0, $3  }
0x9c: {  	_ =	sdelay $0x1  }
0x9d: {  	s23 =	sshrl.u32 s22, $0x2  }
0x9e: {  	s22 =	sadd.s32 $0x1, s22;
	v1 =	vmov s23;
	v2 =	vand.u32 v2, v3  }
0x9f: {  	v0 =	vadd.s32 v0, v2  }
0xa0: {  	v0 =	vmul.u32 $0x9, v0;
	_ =	sdelay $0x1  }
0xa1: {  	[tilespmem:s21+$0x30] =	vst v0  }
0xa2: {  	s20 =	sadd.s32 $0x80, s20;
	v0 =	vld.idx.msk [tilespmem:v1+s18+$0x0], $0xffff  }
0xa3: {  	v62 =	vld [tilespmem:s20+$0xFFFFFFC0]  }
0xa4: {  	v63 =	vld.idx.msk [tilespmem:v1+s19+$0x0], $0xffff;
	_ =	sdelay $0x3  }
0xa5: {  	v2 =	vand.u32 v0, v62  }
0xa6: {  	v2 =	vadd.s32 v63, v2  }
0xa7: {  	v2 =	vmul.u32 $0x9, v2  }
0xa8: {  	s25 =	sadd.s32 $0x80, s21  }
0xa9: {  	[tilespmem:s25+$0xFFFFFFC0] =	vst v2  }
0xaa: {  	v2 =	vld [tilespmem:s20+$0xFFFFFFD0];
	_ =	sdelay $0x4  }
0xab: {  	v2 =	vand.u32 v0, v2  }
0xac: {  	v2 =	vadd.s32 v63, v2  }
0xad: {  	v2 =	vmul.u32 $0x9, v2;
	_ =	sdelay $0x1  }
0xae: {  	[tilespmem:s25+$0xFFFFFFD0] =	vst v2  }
0xaf: {  	v2 =	vld [tilespmem:s20+$0xFFFFFFE0];
	_ =	sdelay $0x4  }
0xb0: {  	v2 =	vand.u32 v0, v2  }
0xb1: {  	v2 =	vadd.s32 v63, v2  }
0xb2: {  	v2 =	vmul.u32 $0x9, v2;
	_ =	sdelay $0x1  }
0xb3: {  	[tilespmem:s25+$0xFFFFFFE0] =	vst v2  }
0xb4: {  	v2 =	vld [tilespmem:s20+$0xFFFFFFF0];
	_ =	sdelay $0x4  }
0xb5: {  	v2 =	vand.u32 v0, v2  }
0xb6: {  	v2 =	vadd.s32 v63, v2  }
0xb7: {  	v2 =	vmul.u32 $0x9, v2;
	_ =	sdelay $0x1  }
0xb8: {  	[tilespmem:s25+$0xFFFFFFF0] =	vst v2  }
0xb9: {  	v2 =	vld [tilespmem:s20+$0x0];
	_ =	sdelay $0x4  }
0xba: {  	v2 =	vand.u32 v0, v2  }
0xbb: {  	v2 =	vadd.s32 v63, v2  }
0xbc: {  	v2 =	vmul.u32 $0x9, v2;
	_ =	sdelay $0x1  }
0xbd: {  	[tilespmem:s25+$0x0] =	vst v2  }
0xbe: {  	v2 =	vld [tilespmem:s20+$0x10];
	_ =	sdelay $0x4  }
0xbf: {  	v2 =	vand.u32 v0, v2  }
0xc0: {  	v2 =	vadd.s32 v63, v2  }
0xc1: {  	v2 =	vmul.u32 $0x9, v2;
	_ =	sdelay $0x1  }
0xc2: {  	[tilespmem:s25+$0x10] =	vst v2  }
0xc3: {  	v2 =	vld [tilespmem:s20+$0x20];
	_ =	sdelay $0x4  }
0xc4: {  	v2 =	vand.u32 v0, v2  }
0xc5: {  	v2 =	vadd.s32 v63, v2  }
0xc6: {  	v2 =	vmul.u32 $0x9, v2;
	_ =	sdelay $0x1  }
0xc7: {  	[tilespmem:s25+$0x20] =	vst v2  }
0xc8: {  	v2 =	vld [tilespmem:s20+$0x30];
	_ =	sdelay $0x4  }
0xc9: {  	v0 =	vand.u32 v0, v2  }
0xca: {  	v0 =	vadd.s32 v63, v0  }
0xcb: {  	v0 =	vmul.u32 $0x9, v0;
	_ =	sdelay $0x1  }
0xcc: {  	[tilespmem:s25+$0x30] =	vst v0  }
0xcd: {  	_ =	swait.ge [sflag:s31], $0x5E80  }
0xce: {  	s22 =	simm.s32 $0x0;
	[sflag:s31] =	ssyncset.done $0x0  }
0xcf: {  	s21 =	simm.s32 $0x70E0;
	s20 =	simm.s32 $0x0;
	[sflag:s31] =	ssyncadd.s32 $0xFFFFA180  }
.LBB2_4:
0xd0: {  	p0 =	slt.u32 s22, $0x4  }
0xd1: {  	s23 =	simm.s32 @!p0 $0x2  }
0xd2: {  	_ =	swait.ge @!p0 [sflag:s23], $0x400  }
0xd3: {  	[sflag:s23] =	ssyncset.done @!p0 $0x0  }
0xd4: {  	[sflag:s23] =	ssyncadd.s32 @!p0 $0xFFFFFC00  }
0xd5: {  	v0 =	vld [tilespmem:s21+$0xFFFFFFC0]  }
0xd6: {  	v1 =	vld [tilespmem:s21+$0xFFFFFFD0]  }
0xd7: {  	v2 =	vld [tilespmem:s21+$0xFFFFFFE0]  }
0xd8: {  	v3 =	vld [tilespmem:s21+$0xFFFFFFF0];
	_ =	sdelay $0x4  }
0xd9: {  	v4 =	vld.idx.msk [tilespmem:v0+s3+$0x0], $0xffff  }
0xda: {  	v5 =	vld.idx.msk [tilespmem:v1+s3+$0x0], $0xffff  }
0xdb: {  	v6 =	vld.idx.msk [tilespmem:v2+s3+$0x0], $0xffff  }
0xdc: {  	v7 =	vld.idx.msk [tilespmem:v3+s3+$0x0], $0xffff  }
0xdd: {  	s23 =	sand.u32 $0xC00, s20;
	v8 =	vadd.s32 $0x1, v0  }
0xde: {  	v17 =	vadd.s32 $0x1, v1;
	[tilespmem:s23+$0x82A0] =	vst v4  }
0xdf: {  	v18 =	vadd.s32 $0x1, v2;
	[tilespmem:s23+$0x82B0] =	vst v5  }
0xe0: {  	v19 =	vadd.s32 $0x1, v3;
	[tilespmem:s23+$0x82C0] =	vst v6  }
0xe1: {  	[tilespmem:s23+$0x82D0] =	vst v7  }
0xe2: {  	v7 =	vld.idx.msk [tilespmem:v8+s3+$0x0], $0xffff  }
0xe3: {  	v4 =	vld.idx.msk [tilespmem:v17+s3+$0x0], $0xffff  }
0xe4: {  	v5 =	vld.idx.msk [tilespmem:v18+s3+$0x0], $0xffff  }
0xe5: {  	v6 =	vld.idx.msk [tilespmem:v19+s3+$0x0], $0xffff  }
0xe6: {  	v20 =	vadd.s32 $0x2, v0  }
0xe7: {  	v21 =	vadd.s32 $0x2, v1;
	[tilespmem:s23+$0x8320] =	vst v7  }
0xe8: {  	v22 =	vadd.s32 $0x2, v2;
	[tilespmem:s23+$0x8330] =	vst v4  }
0xe9: {  	v23 =	vadd.s32 $0x2, v3;
	[tilespmem:s23+$0x8340] =	vst v5  }
0xea: {  	[tilespmem:s23+$0x8350] =	vst v6  }
0xeb: {  	v6 =	vld.idx.msk [tilespmem:v20+s3+$0x0], $0xffff  }
0xec: {  	v7 =	vld.idx.msk [tilespmem:v21+s3+$0x0], $0xffff  }
0xed: {  	v4 =	vld.idx.msk [tilespmem:v22+s3+$0x0], $0xffff  }
0xee: {  	v5 =	vld.idx.msk [tilespmem:v23+s3+$0x0], $0xffff  }
0xef: {  	v24 =	vadd.s32 $0x3, v0  }
0xf0: {  	v25 =	vadd.s32 $0x3, v1;
	[tilespmem:s23+$0x83A0] =	vst v6  }
0xf1: {  	v26 =	vadd.s32 $0x3, v2;
	[tilespmem:s23+$0x83B0] =	vst v7  }
0xf2: {  	v27 =	vadd.s32 $0x3, v3;
	[tilespmem:s23+$0x83C0] =	vst v4  }
0xf3: {  	[tilespmem:s23+$0x83D0] =	vst v5  }
0xf4: {  	v5 =	vld.idx.msk [tilespmem:v24+s3+$0x0], $0xffff  }
0xf5: {  	v6 =	vld.idx.msk [tilespmem:v25+s3+$0x0], $0xffff  }
0xf6: {  	v7 =	vld.idx.msk [tilespmem:v26+s3+$0x0], $0xffff  }
0xf7: {  	v4 =	vld.idx.msk [tilespmem:v27+s3+$0x0], $0xffff  }
0xf8: {  	v28 =	vadd.s32 $0x4, v0  }
0xf9: {  	v29 =	vadd.s32 $0x4, v1;
	[tilespmem:s23+$0x8420] =	vst v5  }
0xfa: {  	v30 =	vadd.s32 $0x4, v2;
	[tilespmem:s23+$0x8430] =	vst v6  }
0xfb: {  	v31 =	vadd.s32 $0x4, v3;
	[tilespmem:s23+$0x8440] =	vst v7  }
0xfc: {  	[tilespmem:s23+$0x8450] =	vst v4  }
0xfd: {  	v4 =	vld.idx.msk [tilespmem:v28+s3+$0x0], $0xffff  }
0xfe: {  	v5 =	vld.idx.msk [tilespmem:v29+s3+$0x0], $0xffff  }
0xff: {  	v6 =	vld.idx.msk [tilespmem:v30+s3+$0x0], $0xffff  }
0x100: {  	v7 =	vld.idx.msk [tilespmem:v31+s3+$0x0], $0xffff  }
0x101: {  	v32 =	vadd.s32 $0x5, v0  }
0x102: {  	v33 =	vadd.s32 $0x5, v1;
	[tilespmem:s23+$0x84A0] =	vst v4  }
0x103: {  	v34 =	vadd.s32 $0x5, v2;
	[tilespmem:s23+$0x84B0] =	vst v5  }
0x104: {  	v35 =	vadd.s32 $0x5, v3;
	[tilespmem:s23+$0x84C0] =	vst v6  }
0x105: {  	[tilespmem:s23+$0x84D0] =	vst v7  }
0x106: {  	v7 =	vld.idx.msk [tilespmem:v32+s3+$0x0], $0xffff  }
0x107: {  	v4 =	vld.idx.msk [tilespmem:v33+s3+$0x0], $0xffff  }
0x108: {  	v5 =	vld.idx.msk [tilespmem:v34+s3+$0x0], $0xffff  }
0x109: {  	v6 =	vld.idx.msk [tilespmem:v35+s3+$0x0], $0xffff  }
0x10a: {  	v36 =	vadd.s32 $0x6, v0  }
0x10b: {  	v37 =	vadd.s32 $0x6, v1;
	[tilespmem:s23+$0x8520] =	vst v7  }
0x10c: {  	v38 =	vadd.s32 $0x6, v2;
	[tilespmem:s23+$0x8530] =	vst v4  }
0x10d: {  	v39 =	vadd.s32 $0x6, v3;
	[tilespmem:s23+$0x8540] =	vst v5  }
0x10e: {  	[tilespmem:s23+$0x8550] =	vst v6  }
0x10f: {  	v6 =	vld.idx.msk [tilespmem:v36+s3+$0x0], $0xffff  }
0x110: {  	v7 =	vld.idx.msk [tilespmem:v37+s3+$0x0], $0xffff  }
0x111: {  	v4 =	vld.idx.msk [tilespmem:v38+s3+$0x0], $0xffff  }
0x112: {  	v5 =	vld.idx.msk [tilespmem:v39+s3+$0x0], $0xffff  }
0x113: {  	v0 =	vadd.s32 $0x7, v0  }
0x114: {  	v1 =	vadd.s32 $0x7, v1;
	[tilespmem:s23+$0x85A0] =	vst v6  }
0x115: {  	v2 =	vadd.s32 $0x7, v2;
	[tilespmem:s23+$0x85B0] =	vst v7  }
0x116: {  	v3 =	vadd.s32 $0x7, v3;
	[tilespmem:s23+$0x85C0] =	vst v4  }
0x117: {  	[tilespmem:s23+$0x85D0] =	vst v5  }
0x118: {  	v0 =	vld.idx.msk [tilespmem:v0+s3+$0x0], $0xffff  }
0x119: {  	v1 =	vld.idx.msk [tilespmem:v1+s3+$0x0], $0xffff  }
0x11a: {  	v2 =	vld.idx.msk [tilespmem:v2+s3+$0x0], $0xffff  }
0x11b: {  	v3 =	vld.idx.msk [tilespmem:v3+s3+$0x0], $0xffff;
	_ =	sdelay $0x1  }
0x11c: {  	[tilespmem:s23+$0x8620] =	vst v0  }
0x11d: {  	[tilespmem:s23+$0x8630] =	vst v1  }
0x11e: {  	[tilespmem:s23+$0x8640] =	vst v2  }
0x11f: {  	[tilespmem:s23+$0x8650] =	vst v3  }
0x120: {  	v0 =	vld [tilespmem:s21+$0x0]  }
0x121: {  	v1 =	vld [tilespmem:s21+$0x10]  }
0x122: {  	v2 =	vld [tilespmem:s21+$0x20]  }
0x123: {  	v3 =	vld [tilespmem:s21+$0x30];
	_ =	sdelay $0x4  }
0x124: {  	v4 =	vld.idx.msk [tilespmem:v0+s3+$0x0], $0xffff  }
0x125: {  	v5 =	vld.idx.msk [tilespmem:v1+s3+$0x0], $0xffff  }
0x126: {  	v6 =	vld.idx.msk [tilespmem:v2+s3+$0x0], $0xffff  }
0x127: {  	v7 =	vld.idx.msk [tilespmem:v3+s3+$0x0], $0xffff  }
0x128: {  	v40 =	vadd.s32 $0x1, v0  }
0x129: {  	v41 =	vadd.s32 $0x1, v1;
	[tilespmem:s23+$0x82E0] =	vst v4  }
0x12a: {  	v42 =	vadd.s32 $0x1, v2;
	[tilespmem:s23+$0x82F0] =	vst v5  }
0x12b: {  	v43 =	vadd.s32 $0x1, v3;
	[tilespmem:s23+$0x8300] =	vst v6  }
0x12c: {  	[tilespmem:s23+$0x8310] =	vst v7  }
0x12d: {  	v7 =	vld.idx.msk [tilespmem:v40+s3+$0x0], $0xffff  }
0x12e: {  	v4 =	vld.idx.msk [tilespmem:v41+s3+$0x0], $0xffff  }
0x12f: {  	v5 =	vld.idx.msk [tilespmem:v42+s3+$0x0], $0xffff  }
0x130: {  	v6 =	vld.idx.msk [tilespmem:v43+s3+$0x0], $0xffff  }
0x131: {  	v44 =	vadd.s32 $0x2, v0  }
0x132: {  	v45 =	vadd.s32 $0x2, v1;
	[tilespmem:s23+$0x8360] =	vst v7  }
0x133: {  	v46 =	vadd.s32 $0x2, v2;
	[tilespmem:s23+$0x8370] =	vst v4  }
0x134: {  	v47 =	vadd.s32 $0x2, v3;
	[tilespmem:s23+$0x8380] =	vst v5  }
0x135: {  	[tilespmem:s23+$0x8390] =	vst v6  }
0x136: {  	v6 =	vld.idx.msk [tilespmem:v44+s3+$0x0], $0xffff  }
0x137: {  	v7 =	vld.idx.msk [tilespmem:v45+s3+$0x0], $0xffff  }
0x138: {  	v4 =	vld.idx.msk [tilespmem:v46+s3+$0x0], $0xffff  }
0x139: {  	v5 =	vld.idx.msk [tilespmem:v47+s3+$0x0], $0xffff  }
0x13a: {  	v48 =	vadd.s32 $0x3, v0  }
0x13b: {  	v49 =	vadd.s32 $0x3, v1;
	[tilespmem:s23+$0x83E0] =	vst v6  }
0x13c: {  	v50 =	vadd.s32 $0x3, v2;
	[tilespmem:s23+$0x83F0] =	vst v7  }
0x13d: {  	v51 =	vadd.s32 $0x3, v3;
	[tilespmem:s23+$0x8400] =	vst v4  }
0x13e: {  	[tilespmem:s23+$0x8410] =	vst v5  }
0x13f: {  	v5 =	vld.idx.msk [tilespmem:v48+s3+$0x0], $0xffff  }
0x140: {  	v6 =	vld.idx.msk [tilespmem:v49+s3+$0x0], $0xffff  }
0x141: {  	v7 =	vld.idx.msk [tilespmem:v50+s3+$0x0], $0xffff  }
0x142: {  	v4 =	vld.idx.msk [tilespmem:v51+s3+$0x0], $0xffff  }
0x143: {  	v52 =	vadd.s32 $0x4, v0  }
0x144: {  	v53 =	vadd.s32 $0x4, v1;
	[tilespmem:s23+$0x8460] =	vst v5  }
0x145: {  	v54 =	vadd.s32 $0x4, v2;
	[tilespmem:s23+$0x8470] =	vst v6  }
0x146: {  	v55 =	vadd.s32 $0x4, v3;
	[tilespmem:s23+$0x8480] =	vst v7  }
0x147: {  	[tilespmem:s23+$0x8490] =	vst v4  }
0x148: {  	v4 =	vld.idx.msk [tilespmem:v52+s3+$0x0], $0xffff  }
0x149: {  	v5 =	vld.idx.msk [tilespmem:v53+s3+$0x0], $0xffff  }
0x14a: {  	v6 =	vld.idx.msk [tilespmem:v54+s3+$0x0], $0xffff  }
0x14b: {  	v7 =	vld.idx.msk [tilespmem:v55+s3+$0x0], $0xffff  }
0x14c: {  	v56 =	vadd.s32 $0x5, v0  }
0x14d: {  	v57 =	vadd.s32 $0x5, v1;
	[tilespmem:s23+$0x84E0] =	vst v4  }
0x14e: {  	v58 =	vadd.s32 $0x5, v2;
	[tilespmem:s23+$0x84F0] =	vst v5  }
0x14f: {  	v59 =	vadd.s32 $0x5, v3;
	[tilespmem:s23+$0x8500] =	vst v6  }
0x150: {  	[tilespmem:s23+$0x8510] =	vst v7  }
0x151: {  	v7 =	vld.idx.msk [tilespmem:v56+s3+$0x0], $0xffff  }
0x152: {  	v4 =	vld.idx.msk [tilespmem:v57+s3+$0x0], $0xffff  }
0x153: {  	v5 =	vld.idx.msk [tilespmem:v58+s3+$0x0], $0xffff  }
0x154: {  	v6 =	vld.idx.msk [tilespmem:v59+s3+$0x0], $0xffff  }
0x155: {  	v60 =	vadd.s32 $0x6, v0  }
0x156: {  	v61 =	vadd.s32 $0x6, v1;
	[tilespmem:s23+$0x8560] =	vst v7  }
0x157: {  	v62 =	vadd.s32 $0x6, v2;
	[tilespmem:s23+$0x8570] =	vst v4  }
0x158: {  	v63 =	vadd.s32 $0x6, v3;
	[tilespmem:s23+$0x8580] =	vst v5  }
0x159: {  	[tilespmem:s23+$0x8590] =	vst v6  }
0x15a: {  	v6 =	vld.idx.msk [tilespmem:v60+s3+$0x0], $0xffff  }
0x15b: {  	v7 =	vld.idx.msk [tilespmem:v61+s3+$0x0], $0xffff  }
0x15c: {  	v4 =	vld.idx.msk [tilespmem:v62+s3+$0x0], $0xffff  }
0x15d: {  	v5 =	vld.idx.msk [tilespmem:v63+s3+$0x0], $0xffff  }
0x15e: {  	v0 =	vadd.s32 $0x7, v0  }
0x15f: {  	v1 =	vadd.s32 $0x7, v1;
	[tilespmem:s23+$0x85E0] =	vst v6  }
0x160: {  	v2 =	vadd.s32 $0x7, v2;
	[tilespmem:s23+$0x85F0] =	vst v7  }
0x161: {  	v3 =	vadd.s32 $0x7, v3;
	[tilespmem:s23+$0x8600] =	vst v4  }
0x162: {  	[tilespmem:s23+$0x8610] =	vst v5  }
0x163: {  	v0 =	vld.idx.msk [tilespmem:v0+s3+$0x0], $0xffff  }
0x164: {  	v1 =	vld.idx.msk [tilespmem:v1+s3+$0x0], $0xffff  }
0x165: {  	s24 =	sshrl.u32 s22, $0x2;
	v2 =	vld.idx.msk [tilespmem:v2+s3+$0x0], $0xffff  }
0x166: {  	s22 =	sadd.s32 $0x1, s22;
	s24 =	smul.u32 $0x1F000, s24;
	v3 =	vld.idx.msk [tilespmem:v3+s3+$0x0], $0xffff  }
0x167: {  	p0 =	sne.s32 s22, $0x24  }
.Ltmp1:
0x168: {  	s24 =	sadd.s32 s24, s17;
	[tilespmem:s23+$0x8660] =	vst v0;
	(pc) =	sbr.rel @p0 .LBB2_4-.Ltmp1, $4  }
0x169: {  	s24 =	sadd.s32 s24, s20;
	[tilespmem:s23+$0x8670] =	vst v1  }
0x16a: {  	s20 =	sadd.s32 $0x400, s20;
	s24 =	sshrl.u32 s24, $0x3;
	[tilespmem:s23+$0x8680] =	vst v2  }
0x16b: {  	s25 =	sadd.s32 $0x82A0, s23;
	s24 =	sadd.s32 s2, s24;
	s21 =	sadd.s32 $0x80, s21;
	[tilespmem:s23+$0x8690] =	vst v3  }
0x16c: {  	[hbm4b:s24+s3] =	stream.linear.scatter [tilespmem:s25], [sflag:$0x2], $0x400, $0x38;
	[tilespmem:$0x92A0] =	vst v63  }
0x16d: {  	_ =	swait.ge [sflag:s0], $0x400  }
0x16e: {  	[sflag:s0] =	ssyncset.done $0x0  }
0x16f: {  	[sflag:s0] =	ssyncadd.s32 $0xFFFFFC00  }
0x170: {  	_ =	swait.ge [sflag:s0], $0x400  }
0x171: {  	[sflag:s0] =	ssyncset.done $0x0  }
0x172: {  	s1 =	sadd.s32 $0x1, s1;
	[sflag:s0] =	ssyncadd.s32 $0xFFFFFC00  }
0x173: {  	p0 =	sne.s32 s1, s16;
	_ =	swait.ge [sflag:s0], $0x400  }
.Ltmp2:
0x174: {  	[sflag:s0] =	ssyncset.done $0x0;
	(pc) =	sbr.rel @p0 .LBB2_1-.Ltmp2, $4  }
0x175: {  	[sflag:s0] =	ssyncadd.s32 $0xFFFFFC00  }
0x176: {  	_ =	swait.ge [sflag:s0], $0x400  }
0x177: {  	[sflag:s0] =	ssyncset.done $0x0  }
0x178: {  	[sflag:s0] =	ssyncadd.s32 $0xFFFFFC00  }
0x179: {  	_ =	sfence.sel $0x180000  }
0x17a: {  	[bflag:$0x0] =	sbarrier.arrive $0xFFFF  }
0x17b: {  	_ =	strace $0x90000047  }
0x17c: {  	s0 =	stileid.u32;
	[bflag:$0x2] =	sbarrier.arrive $0xFFFF  }
0x17d: {  	p0 =	sne.s32 s0, $0x0;
	s0 =	rddreg [dreg:$0x2]  }
0x17e: {  	s0 =	sadd.s32 @!p0 $0x100000, s0  }
0x17f: {  	[sflag:s0] =	ssyncadd.tile.s32 @!p0 $0x1;
	_ =	shalt  }
.Lfunc_end2:
_tile_overlayer_lowered:
.L_overlay_start_2:
0x180: {  	(tag) =	ssettag $0x2  }
0x181: {  	s0 =	rddreg [dreg:$0x0];
	s2 =	stileid.u32  }
0x182: {  	s1 =	rddreg [dreg:$0x1];
	p0 =	sne.s32 s2, $0x0  }
0x183: {  	s3 =	rddreg [dreg:$0x2];
	[bflag:$0x3] =	sbarrier.arrive $0xFFFF;
	s2 =	simm.s32 @!p0 $0x1C04  }
0x184: {  	[timem:s3], [sflag:s2] =	dma.local @!p0 [hbm:s0], s1  }
0x185: {  	s0 =	simm.s32 @!p0 $0x4  }
0x186: {  	_ =	swait.ge @!p0 [sflag:s0], s1  }
0x187: {  	s1 =	ssub.s32 @!p0 $0x0, s1;
	[sflag:s0] =	ssyncset.done @!p0 $0x0  }
0x188: {  	[sflag:s0] =	ssyncadd.s32 @!p0 s1  }
0x189: {  	[bflag:$0x3] =	sbarrier.arrive $0xFFFF  }
0x18a: {  	_ =	shalt  }

</sc_bundles>
